<compile_context>
chip_gen: v7x
topology: tpu7x:2x2x1
jax: 0.10.2.dev20260603
libtpu: 0.0.44.dev20260713+nightly
codegen_flags: <defaults>
</compile_context>

<pallas_src>
import functools

import jax
import jax.numpy as jnp
from jax import lax
from jax.experimental import pallas as pl
from jax.experimental.pallas import tpu as pltpu
from jax.experimental.pallas import tpu_sc as plsc

VOCAB = 1_000_000
D = 64
BATCH = 4096
SEQ = 50
B = BATCH * SEQ

NC = 2
NS = 16
NW = NC * NS
B_PER_W = B // NW
CHUNK = 128
NCHUNK = B_PER_W // CHUNK
NBUF = 5
LOOKAHEAD = NBUF - 1

_mesh = plsc.VectorSubcoreMesh(
    core_axis_name="c", subcore_axis_name="s", num_cores=NC, num_subcores=NS
)


@functools.partial(
    pl.kernel,
    out_type=jax.ShapeDtypeStruct((B, D), jnp.float32),
    mesh=_mesh,
    scratch_types=[
        pltpu.VMEM((B_PER_W,), jnp.int32),
        pltpu.VMEM((NBUF, CHUNK, D), jnp.float32),
        pltpu.SemaphoreType.DMA((NBUF,)),
        pltpu.SemaphoreType.DMA((NBUF,)),
    ],
    compiler_params=pltpu.CompilerParams(use_tc_tiling_on_sc=False),
)
def _gather_kernel(idx_hbm, table_hbm, out_hbm, idx_v, rows_v, gsem, osem):
    wid = lax.axis_index("s") * NC + lax.axis_index("c")
    base = wid * B_PER_W

    pltpu.sync_copy(idx_hbm.at[pl.ds(base, B_PER_W)], idx_v)

    def gather(c, slot):
        return pltpu.make_async_copy(
            table_hbm.at[idx_v.at[pl.ds(c * CHUNK, CHUNK)]],
            rows_v.at[slot],
            gsem.at[slot],
        )

    def write(c, slot):
        return pltpu.make_async_copy(
            rows_v.at[slot],
            out_hbm.at[pl.ds(base + c * CHUNK, CHUNK)],
            osem.at[slot],
        )

    for c in range(LOOKAHEAD):
        gather(c, c).start()

    def step(c, b, first=False, issue=True):
        if issue:
            g_slot = (b + LOOKAHEAD) % NBUF
            if not first:
                write(c + LOOKAHEAD - NBUF, g_slot).wait()
            gather(c + LOOKAHEAD, g_slot).start()
        gather(c, b).wait()
        write(c, b).start()

    for b in range(NBUF):
        step(b, b, first=(b == 0))

    def group(p, _):
        for b in range(NBUF):
            step(p * NBUF + b, b)
        return _

    lax.fori_loop(1, NCHUNK // NBUF - 1, group, None, unroll=False)

    last = NCHUNK - NBUF
    for b in range(NBUF):
        step(last + b, b, issue=(last + b + LOOKAHEAD < NCHUNK))

    for c in range(NCHUNK - NBUF, NCHUNK):
        write(c, c % NBUF).wait()


def kernel(inputs, embedding_table):
    flat_idx = inputs.reshape(B)
    out = _gather_kernel(flat_idx, embedding_table)
    return out.reshape(BATCH, SEQ, D)

# --- scband reference (transcript-rebuilt; emitter-appended) ---
"""Pipeline reference for scband-embedding-73375221285359 (READ-ONLY COPY).

The authoritative reference and input builder live on the scoring server;
editing this copy changes nothing except your own understanding.
"""

import jax, jax.numpy as jnp
import numpy as np

VOCAB_SIZE = 1000000
EMBED_DIM = 64
BATCH = 4096
SEQ_LEN = 50
INIT_RANGE = 0.02


def setup_inputs(seed: int = 0) -> dict:
    key = jax.random.key(seed)
    k_ids, k_table = jax.random.split(key)
    inputs = jax.random.randint(k_ids, (BATCH, SEQ_LEN), 0, VOCAB_SIZE, dtype=jnp.int32)
    # Truncated-normal init approximated with normal * stddev (faithful scale)
    embedding_table = jax.random.truncated_normal(k_table, -2.0, 2.0, (VOCAB_SIZE, EMBED_DIM), dtype=jnp.float32) * INIT_RANGE
    return {"inputs": inputs, "embedding_table": embedding_table}


def reference(inputs, embedding_table):
    # tf.gather(self.embedding_table, inputs) -> table[inputs]
    output = jnp.take(embedding_table, inputs, axis=0)
    return output

if __name__ == "__main__":
    import jax
    _d = setup_inputs()
    print(jax.jit(kernel)(*tuple(_d.values())))

</pallas_src>

<mosaic_0001>
#map = affine_map<(d0, d1) -> (0)>
#map1 = affine_map<(d0, d1) -> (0, 0)>
module attributes {stable_mosaic.version = 14 : i64} {
  func.func @_gather_kernel(%arg0: i32, %arg1: i32, %arg2: memref<204800xi32, #tpu.memory_space<hbm>>, %arg3: memref<1000000x64xf32, #tpu.memory_space<hbm>>, %arg4: memref<204800x64xf32, #tpu.memory_space<hbm>>, %arg5: memref<6400xi32, #tpu.memory_space<vmem>>, %arg6: memref<5x128x64xf32, #tpu.memory_space<vmem>>, %arg7: memref<5x!tpu.dma_semaphore, #tpu.memory_space<semaphore_mem>>, %arg8: memref<5x!tpu.dma_semaphore, #tpu.memory_space<semaphore_mem>>) attributes {dimension_semantics = [#tpu.dimension_semantics<core_parallel>, #tpu.dimension_semantics<subcore_parallel>], iteration_bounds = array<i64: 2, 16>, scalar_prefetch = 0 : i64, scratch_operands = 4 : i64, tpu.core_type = #tpu.core_type<sc_vector_subcore>, window_params = [{transform_indices = #map}, {transform_indices = #map1}, {transform_indices = #map1}]} {
    %mul3A = arith.constant 2 : i32
    %mul3A_0 = arith.muli %arg1, %mul3A : i32
    %add3A = arith.addi %mul3A_0, %arg0 : i32
    %mul3A_1 = arith.constant 6400 : i32
    %mul3A_2 = arith.muli %add3A, %mul3A_1 : i32
    "tpu.region"() ({
      %run_scoped3A = tpu.sem_alloc : memref<!tpu.dma_semaphore, #tpu.memory_space<semaphore_mem>>
      %dma_start3A_625 = tpu.memref_slice %arg2[%mul3A_2] : memref<204800xi32, #tpu.memory_space<hbm>> -> memref<6400xi32, #tpu.memory_space<hbm>>
      %dma_start3A_626 = tpu.memref_slice %arg2[%mul3A_2] : memref<204800xi32, #tpu.memory_space<hbm>> -> memref<6400xi32, #tpu.memory_space<hbm>>
      tpu.enqueue_dma source(%dma_start3A_626 : memref<6400xi32, #tpu.memory_space<hbm>>) target(%arg5 : memref<6400xi32, #tpu.memory_space<vmem>>) target_semaphore(%run_scoped3A : memref<!tpu.dma_semaphore, #tpu.memory_space<semaphore_mem>>)
      %dma_wait3A_627 = tpu.memref_slice %arg2[%mul3A_2] : memref<204800xi32, #tpu.memory_space<hbm>> -> memref<6400xi32, #tpu.memory_space<hbm>>
      %dma_wait3A_628 = tpu.memref_slice %arg2[%mul3A_2] : memref<204800xi32, #tpu.memory_space<hbm>> -> memref<6400xi32, #tpu.memory_space<hbm>>
      tpu.wait_dma2 semaphore(%run_scoped3A : memref<!tpu.dma_semaphore, #tpu.memory_space<semaphore_mem>>) src(%dma_wait3A_628 : memref<6400xi32, #tpu.memory_space<hbm>>) dst(%arg5 : memref<6400xi32, #tpu.memory_space<vmem>>)
      tpu.yield
    }) : () -> ()
    %dma_start3A = arith.constant 0 : i32
    %dma_start3A_3 = arith.constant 0 : i32
    %dma_start3A_4 = arith.constant 0 : i32
    %dma_start3A_5 = arith.constant 0 : i32
    %dma_start3A_6 = tpu.memref_slice %arg6[%dma_start3A, %dma_start3A_4, %dma_start3A_5] : memref<5x128x64xf32, #tpu.memory_space<vmem>> -> memref<1x128x64xf32, #tpu.memory_space<vmem>>
    %dma_start3A_7 = tpu.memref_squeeze %dma_start3A_6 : memref<1x128x64xf32, #tpu.memory_space<vmem>> -> memref<128x64xf32, #tpu.memory_space<vmem>>
    %dma_start3A_8 = arith.constant 0 : i32
    %dma_start3A_9 = tpu.memref_slice %arg5[%dma_start3A_8] : memref<6400xi32, #tpu.memory_space<vmem>> -> memref<128xi32, #tpu.memory_space<vmem>>
    %dma_start3A_10 = arith.constant 0 : i32
    %dma_start3A_11 = arith.constant 0 : i32
    %dma_start3A_12 = tpu.memref_slice %arg3[%dma_start3A_10, %dma_start3A_11] : memref<1000000x64xf32, #tpu.memory_space<hbm>> -> memref<1000000x64xf32, #tpu.memory_space<hbm>>
    %dma_start3A_13 = tpu.memref_slice %arg7[%dma_start3A_3] : memref<5x!tpu.dma_semaphore, #tpu.memory_space<semaphore_mem>> -> memref<1x!tpu.dma_semaphore, #tpu.memory_space<semaphore_mem>>
    %dma_start3A_14 = tpu.memref_squeeze %dma_start3A_13 : memref<1x!tpu.dma_semaphore, #tpu.memory_space<semaphore_mem>> -> memref<!tpu.dma_semaphore, #tpu.memory_space<semaphore_mem>>
    tpu.enqueue_indirect_dma source(%dma_start3A_12 : memref<1000000x64xf32, #tpu.memory_space<hbm>>) target(%dma_start3A_7 : memref<128x64xf32, #tpu.memory_space<vmem>>) offsets(%dma_start3A_9 : memref<128xi32, #tpu.memory_space<vmem>>) semaphore(%dma_start3A_14 : memref<!tpu.dma_semaphore, #tpu.memory_space<semaphore_mem>>)
    %dma_start3A_15 = arith.constant 1 : i32
    %dma_start3A_16 = arith.constant 1 : i32
    %dma_start3A_17 = arith.constant 0 : i32
    %dma_start3A_18 = arith.constant 0 : i32
    %dma_start3A_19 = tpu.memref_slice %arg6[%dma_start3A_15, %dma_start3A_17, %dma_start3A_18] : memref<5x128x64xf32, #tpu.memory_space<vmem>> -> memref<1x128x64xf32, #tpu.memory_space<vmem>>
    %dma_start3A_20 = tpu.memref_squeeze %dma_start3A_19 : memref<1x128x64xf32, #tpu.memory_space<vmem>> -> memref<128x64xf32, #tpu.memory_space<vmem>>
    %dma_start3A_21 = arith.constant 128 : i32
    %dma_start3A_22 = tpu.memref_slice %arg5[%dma_start3A_21] : memref<6400xi32, #tpu.memory_space<vmem>> -> memref<128xi32, #tpu.memory_space<vmem>>
    %dma_start3A_23 = arith.constant 0 : i32
    %dma_start3A_24 = arith.constant 0 : i32
    %dma_start3A_25 = tpu.memref_slice %arg3[%dma_start3A_23, %dma_start3A_24] : memref<1000000x64xf32, #tpu.memory_space<hbm>> -> memref<1000000x64xf32, #tpu.memory_space<hbm>>
    %dma_start3A_26 = tpu.memref_slice %arg7[%dma_start3A_16] : memref<5x!tpu.dma_semaphore, #tpu.memory_space<semaphore_mem>> -> memref<1x!tpu.dma_semaphore, #tpu.memory_space<semaphore_mem>>
    %dma_start3A_27 = tpu.memref_squeeze %dma_start3A_26 : memref<1x!tpu.dma_semaphore, #tpu.memory_space<semaphore_mem>> -> memref<!tpu.dma_semaphore, #tpu.memory_space<semaphore_mem>>
    tpu.enqueue_indirect_dma source(%dma_start3A_25 : memref<1000000x64xf32, #tpu.memory_space<hbm>>) target(%dma_start3A_20 : memref<128x64xf32, #tpu.memory_space<vmem>>) offsets(%dma_start3A_22 : memref<128xi32, #tpu.memory_space<vmem>>) semaphore(%dma_start3A_27 : memref<!tpu.dma_semaphore, #tpu.memory_space<semaphore_mem>>)
    %dma_start3A_28 = arith.constant 2 : i32
    %dma_start3A_29 = arith.constant 2 : i32
    %dma_start3A_30 = arith.constant 0 : i32
    %dma_start3A_31 = arith.constant 0 : i32
    %dma_start3A_32 = tpu.memref_slice %arg6[%dma_start3A_28, %dma_start3A_30, %dma_start3A_31] : memref<5x128x64xf32, #tpu.memory_space<vmem>> -> memref<1x128x64xf32, #tpu.memory_space<vmem>>
    %dma_start3A_33 = tpu.memref_squeeze %dma_start3A_32 : memref<1x128x64xf32, #tpu.memory_space<vmem>> -> memref<128x64xf32, #tpu.memory_space<vmem>>
    %dma_start3A_34 = arith.constant 256 : i32
    %dma_start3A_35 = tpu.memref_slice %arg5[%dma_start3A_34] : memref<6400xi32, #tpu.memory_space<vmem>> -> memref<128xi32, #tpu.memory_space<vmem>>
    %dma_start3A_36 = arith.constant 0 : i32
    %dma_start3A_37 = arith.constant 0 : i32
    %dma_start3A_38 = tpu.memref_slice %arg3[%dma_start3A_36, %dma_start3A_37] : memref<1000000x64xf32, #tpu.memory_space<hbm>> -> memref<1000000x64xf32, #tpu.memory_space<hbm>>
    %dma_start3A_39 = tpu.memref_slice %arg7[%dma_start3A_29] : memref<5x!tpu.dma_semaphore, #tpu.memory_space<semaphore_mem>> -> memref<1x!tpu.dma_semaphore, #tpu.memory_space<semaphore_mem>>
    %dma_start3A_40 = tpu.memref_squeeze %dma_start3A_39 : memref<1x!tpu.dma_semaphore, #tpu.memory_space<semaphore_mem>> -> memref<!tpu.dma_semaphore, #tpu.memory_space<semaphore_mem>>
    tpu.enqueue_indirect_dma source(%dma_start3A_38 : memref<1000000x64xf32, #tpu.memory_space<hbm>>) target(%dma_start3A_33 : memref<128x64xf32, #tpu.memory_space<vmem>>) offsets(%dma_start3A_35 : memref<128xi32, #tpu.memory_space<vmem>>) semaphore(%dma_start3A_40 : memref<!tpu.dma_semaphore, #tpu.memory_space<semaphore_mem>>)
    %dma_start3A_41 = arith.constant 3 : i32
    %dma_start3A_42 = arith.constant 3 : i32
    %dma_start3A_43 = arith.constant 0 : i32
    %dma_start3A_44 = arith.constant 0 : i32
    %dma_start3A_45 = tpu.memref_slice %arg6[%dma_start3A_41, %dma_start3A_43, %dma_start3A_44] : memref<5x128x64xf32, #tpu.memory_space<vmem>> -> memref<1x128x64xf32, #tpu.memory_space<vmem>>
    %dma_start3A_46 = tpu.memref_squeeze %dma_start3A_45 : memref<1x128x64xf32, #tpu.memory_space<vmem>> -> memref<128x64xf32, #tpu.memory_space<vmem>>
    %dma_start3A_47 = arith.constant 384 : i32
    %dma_start3A_48 = tpu.memref_slice %arg5[%dma_start3A_47] : memref<6400xi32, #tpu.memory_space<vmem>> -> memref<128xi32, #tpu.memory_space<vmem>>
    %dma_start3A_49 = arith.constant 0 : i32
    %dma_start3A_50 = arith.constant 0 : i32
    %dma_start3A_51 = tpu.memref_slice %arg3[%dma_start3A_49, %dma_start3A_50] : memref<1000000x64xf32, #tpu.memory_space<hbm>> -> memref<1000000x64xf32, #tpu.memory_space<hbm>>
    %dma_start3A_52 = tpu.memref_slice %arg7[%dma_start3A_42] : memref<5x!tpu.dma_semaphore, #tpu.memory_space<semaphore_mem>> -> memref<1x!tpu.dma_semaphore, #tpu.memory_space<semaphore_mem>>
    %dma_start3A_53 = tpu.memref_squeeze %dma_start3A_52 : memref<1x!tpu.dma_semaphore, #tpu.memory_space<semaphore_mem>> -> memref<!tpu.dma_semaphore, #tpu.memory_space<semaphore_mem>>
    tpu.enqueue_indirect_dma source(%dma_start3A_51 : memref<1000000x64xf32, #tpu.memory_space<hbm>>) target(%dma_start3A_46 : memref<128x64xf32, #tpu.memory_space<vmem>>) offsets(%dma_start3A_48 : memref<128xi32, #tpu.memory_space<vmem>>) semaphore(%dma_start3A_53 : memref<!tpu.dma_semaphore, #tpu.memory_space<semaphore_mem>>)
    %dma_start3A_54 = arith.constant 4 : i32
    %dma_start3A_55 = arith.constant 4 : i32
    %dma_start3A_56 = arith.constant 0 : i32
    %dma_start3A_57 = arith.constant 0 : i32
    %dma_start3A_58 = tpu.memref_slice %arg6[%dma_start3A_54, %dma_start3A_56, %dma_start3A_57] : memref<5x128x64xf32, #tpu.memory_space<vmem>> -> memref<1x128x64xf32, #tpu.memory_space<vmem>>
    %dma_start3A_59 = tpu.memref_squeeze %dma_start3A_58 : memref<1x128x64xf32, #tpu.memory_space<vmem>> -> memref<128x64xf32, #tpu.memory_space<vmem>>
    %dma_start3A_60 = arith.constant 512 : i32
    %dma_start3A_61 = tpu.memref_slice %arg5[%dma_start3A_60] : memref<6400xi32, #tpu.memory_space<vmem>> -> memref<128xi32, #tpu.memory_space<vmem>>
    %dma_start3A_62 = arith.constant 0 : i32
    %dma_start3A_63 = arith.constant 0 : i32
    %dma_start3A_64 = tpu.memref_slice %arg3[%dma_start3A_62, %dma_start3A_63] : memref<1000000x64xf32, #tpu.memory_space<hbm>> -> memref<1000000x64xf32, #tpu.memory_space<hbm>>
    %dma_start3A_65 = tpu.memref_slice %arg7[%dma_start3A_55] : memref<5x!tpu.dma_semaphore, #tpu.memory_space<semaphore_mem>> -> memref<1x!tpu.dma_semaphore, #tpu.memory_space<semaphore_mem>>
    %dma_start3A_66 = tpu.memref_squeeze %dma_start3A_65 : memref<1x!tpu.dma_semaphore, #tpu.memory_space<semaphore_mem>> -> memref<!tpu.dma_semaphore, #tpu.memory_space<semaphore_mem>>
    tpu.enqueue_indirect_dma source(%dma_start3A_64 : memref<1000000x64xf32, #tpu.memory_space<hbm>>) target(%dma_start3A_59 : memref<128x64xf32, #tpu.memory_space<vmem>>) offsets(%dma_start3A_61 : memref<128xi32, #tpu.memory_space<vmem>>) semaphore(%dma_start3A_66 : memref<!tpu.dma_semaphore, #tpu.memory_space<semaphore_mem>>)
    %dma_wait3A = arith.constant 0 : i32
    %dma_wait3A_67 = arith.constant 0 : i32
    %dma_wait3A_68 = arith.constant 0 : i32
    %dma_wait3A_69 = arith.constant 0 : i32
    %dma_wait3A_70 = tpu.memref_slice %arg6[%dma_wait3A, %dma_wait3A_68, %dma_wait3A_69] : memref<5x128x64xf32, #tpu.memory_space<vmem>> -> memref<1x128x64xf32, #tpu.memory_space<vmem>>
    %dma_wait3A_71 = tpu.memref_squeeze %dma_wait3A_70 : memref<1x128x64xf32, #tpu.memory_space<vmem>> -> memref<128x64xf32, #tpu.memory_space<vmem>>
    %dma_wait3A_72 = arith.constant 0 : i32
    %dma_wait3A_73 = tpu.memref_slice %arg5[%dma_wait3A_72] : memref<6400xi32, #tpu.memory_space<vmem>> -> memref<128xi32, #tpu.memory_space<vmem>>
    %dma_wait3A_74 = arith.constant 0 : i32
    %dma_wait3A_75 = arith.constant 0 : i32
    %dma_wait3A_76 = tpu.memref_slice %arg3[%dma_wait3A_74, %dma_wait3A_75] : memref<1000000x64xf32, #tpu.memory_space<hbm>> -> memref<1000000x64xf32, #tpu.memory_space<hbm>>
    %dma_wait3A_77 = tpu.memref_slice %arg7[%dma_wait3A_67] : memref<5x!tpu.dma_semaphore, #tpu.memory_space<semaphore_mem>> -> memref<1x!tpu.dma_semaphore, #tpu.memory_space<semaphore_mem>>
    %dma_wait3A_78 = tpu.memref_squeeze %dma_wait3A_77 : memref<1x!tpu.dma_semaphore, #tpu.memory_space<semaphore_mem>> -> memref<!tpu.dma_semaphore, #tpu.memory_space<semaphore_mem>>
    tpu.wait_indirect_dma semaphore(%dma_wait3A_78 : memref<!tpu.dma_semaphore, #tpu.memory_space<semaphore_mem>>) src(%dma_wait3A_76 : memref<1000000x64xf32, #tpu.memory_space<hbm>>) dst(%dma_wait3A_71 : memref<128x64xf32, #tpu.memory_space<vmem>>)
    %add3A_79 = arith.constant 0 : i32
    %add3A_80 = arith.addi %mul3A_2, %add3A_79 : i32
    %dma_start3A_81 = arith.constant 0 : i32
    %dma_start3A_82 = arith.constant 0 : i32
    %dma_start3A_83 = arith.constant 0 : i32
    %dma_start3A_84 = arith.constant 0 : i32
    %dma_start3A_85 = tpu.memref_slice %arg6[%dma_start3A_81, %dma_start3A_83, %dma_start3A_84] : memref<5x128x64xf32, #tpu.memory_space<vmem>> -> memref<1x128x64xf32, #tpu.memory_space<vmem>>
    %dma_start3A_86 = tpu.memref_squeeze %dma_start3A_85 : memref<1x128x64xf32, #tpu.memory_space<vmem>> -> memref<128x64xf32, #tpu.memory_space<vmem>>
    %dma_start3A_87 = arith.constant 0 : i32
    %dma_start3A_88 = tpu.memref_slice %arg4[%add3A_80, %dma_start3A_87] : memref<204800x64xf32, #tpu.memory_space<hbm>> -> memref<128x64xf32, #tpu.memory_space<hbm>>
    %dma_start3A_89 = tpu.memref_slice %arg8[%dma_start3A_82] : memref<5x!tpu.dma_semaphore, #tpu.memory_space<semaphore_mem>> -> memref<1x!tpu.dma_semaphore, #tpu.memory_space<semaphore_mem>>
    %dma_start3A_90 = tpu.memref_squeeze %dma_start3A_89 : memref<1x!tpu.dma_semaphore, #tpu.memory_space<semaphore_mem>> -> memref<!tpu.dma_semaphore, #tpu.memory_space<semaphore_mem>>
    %dma_start3A_91 = arith.constant 0 : i32
    %dma_start3A_92 = tpu.memref_slice %arg4[%add3A_80, %dma_start3A_91] : memref<204800x64xf32, #tpu.memory_space<hbm>> -> memref<128x64xf32, #tpu.memory_space<hbm>>
    %dma_start3A_93 = arith.constant 0 : i32
    %dma_start3A_94 = arith.constant 0 : i32
    %dma_start3A_95 = tpu.memref_slice %arg6[%dma_start3A_81, %dma_start3A_93, %dma_start3A_94] : memref<5x128x64xf32, #tpu.memory_space<vmem>> -> memref<1x128x64xf32, #tpu.memory_space<vmem>>
    %dma_start3A_96 = tpu.memref_squeeze %dma_start3A_95 : memref<1x128x64xf32, #tpu.memory_space<vmem>> -> memref<128x64xf32, #tpu.memory_space<vmem>>
    tpu.enqueue_dma source(%dma_start3A_96 : memref<128x64xf32, #tpu.memory_space<vmem>>) target(%dma_start3A_92 : memref<128x64xf32, #tpu.memory_space<hbm>>) target_semaphore(%dma_start3A_90 : memref<!tpu.dma_semaphore, #tpu.memory_space<semaphore_mem>>)
    %add3A_97 = arith.constant 0 : i32
    %add3A_98 = arith.addi %mul3A_2, %add3A_97 : i32
    %dma_wait3A_99 = arith.constant 0 : i32
    %dma_wait3A_100 = arith.constant 0 : i32
    %dma_wait3A_101 = arith.constant 0 : i32
    %dma_wait3A_102 = arith.constant 0 : i32
    %dma_wait3A_103 = tpu.memref_slice %arg6[%dma_wait3A_99, %dma_wait3A_101, %dma_wait3A_102] : memref<5x128x64xf32, #tpu.memory_space<vmem>> -> memref<1x128x64xf32, #tpu.memory_space<vmem>>
    %dma_wait3A_104 = tpu.memref_squeeze %dma_wait3A_103 : memref<1x128x64xf32, #tpu.memory_space<vmem>> -> memref<128x64xf32, #tpu.memory_space<vmem>>
    %dma_wait3A_105 = arith.constant 0 : i32
    %dma_wait3A_106 = tpu.memref_slice %arg4[%add3A_98, %dma_wait3A_105] : memref<204800x64xf32, #tpu.memory_space<hbm>> -> memref<128x64xf32, #tpu.memory_space<hbm>>
    %dma_wait3A_107 = tpu.memref_slice %arg8[%dma_wait3A_100] : memref<5x!tpu.dma_semaphore, #tpu.memory_space<semaphore_mem>> -> memref<1x!tpu.dma_semaphore, #tpu.memory_space<semaphore_mem>>
    %dma_wait3A_108 = tpu.memref_squeeze %dma_wait3A_107 : memref<1x!tpu.dma_semaphore, #tpu.memory_space<semaphore_mem>> -> memref<!tpu.dma_semaphore, #tpu.memory_space<semaphore_mem>>
    %dma_wait3A_109 = arith.constant 0 : i32
    %dma_wait3A_110 = tpu.memref_slice %arg4[%add3A_98, %dma_wait3A_109] : memref<204800x64xf32, #tpu.memory_space<hbm>> -> memref<128x64xf32, #tpu.memory_space<hbm>>
    %dma_wait3A_111 = arith.constant 0 : i32
    %dma_wait3A_112 = arith.constant 0 : i32
    %dma_wait3A_113 = tpu.memref_slice %arg6[%dma_wait3A_99, %dma_wait3A_111, %dma_wait3A_112] : memref<5x128x64xf32, #tpu.memory_space<vmem>> -> memref<1x128x64xf32, #tpu.memory_space<vmem>>
    %dma_wait3A_114 = tpu.memref_squeeze %dma_wait3A_113 : memref<1x128x64xf32, #tpu.memory_space<vmem>> -> memref<128x64xf32, #tpu.memory_space<vmem>>
    tpu.wait_dma2 semaphore(%dma_wait3A_108 : memref<!tpu.dma_semaphore, #tpu.memory_space<semaphore_mem>>) src(%dma_wait3A_114 : memref<128x64xf32, #tpu.memory_space<vmem>>) dst(%dma_wait3A_110 : memref<128x64xf32, #tpu.memory_space<hbm>>)
    %dma_start3A_115 = arith.constant 0 : i32
    %dma_start3A_116 = arith.constant 0 : i32
    %dma_start3A_117 = arith.constant 0 : i32
    %dma_start3A_118 = arith.constant 0 : i32
    %dma_start3A_119 = tpu.memref_slice %arg6[%dma_start3A_115, %dma_start3A_117, %dma_start3A_118] : memref<5x128x64xf32, #tpu.memory_space<vmem>> -> memref<1x128x64xf32, #tpu.memory_space<vmem>>
    %dma_start3A_120 = tpu.memref_squeeze %dma_start3A_119 : memref<1x128x64xf32, #tpu.memory_space<vmem>> -> memref<128x64xf32, #tpu.memory_space<vmem>>
    %dma_start3A_121 = arith.constant 640 : i32
    %dma_start3A_122 = tpu.memref_slice %arg5[%dma_start3A_121] : memref<6400xi32, #tpu.memory_space<vmem>> -> memref<128xi32, #tpu.memory_space<vmem>>
    %dma_start3A_123 = arith.constant 0 : i32
    %dma_start3A_124 = arith.constant 0 : i32
    %dma_start3A_125 = tpu.memref_slice %arg3[%dma_start3A_123, %dma_start3A_124] : memref<1000000x64xf32, #tpu.memory_space<hbm>> -> memref<1000000x64xf32, #tpu.memory_space<hbm>>
    %dma_start3A_126 = tpu.memref_slice %arg7[%dma_start3A_116] : memref<5x!tpu.dma_semaphore, #tpu.memory_space<semaphore_mem>> -> memref<1x!tpu.dma_semaphore, #tpu.memory_space<semaphore_mem>>
    %dma_start3A_127 = tpu.memref_squeeze %dma_start3A_126 : memref<1x!tpu.dma_semaphore, #tpu.memory_space<semaphore_mem>> -> memref<!tpu.dma_semaphore, #tpu.memory_space<semaphore_mem>>
    tpu.enqueue_indirect_dma source(%dma_start3A_125 : memref<1000000x64xf32, #tpu.memory_space<hbm>>) target(%dma_start3A_120 : memref<128x64xf32, #tpu.memory_space<vmem>>) offsets(%dma_start3A_122 : memref<128xi32, #tpu.memory_space<vmem>>) semaphore(%dma_start3A_127 : memref<!tpu.dma_semaphore, #tpu.memory_space<semaphore_mem>>)
    %dma_wait3A_128 = arith.constant 1 : i32
    %dma_wait3A_129 = arith.constant 1 : i32
    %dma_wait3A_130 = arith.constant 0 : i32
    %dma_wait3A_131 = arith.constant 0 : i32
    %dma_wait3A_132 = tpu.memref_slice %arg6[%dma_wait3A_128, %dma_wait3A_130, %dma_wait3A_131] : memref<5x128x64xf32, #tpu.memory_space<vmem>> -> memref<1x128x64xf32, #tpu.memory_space<vmem>>
    %dma_wait3A_133 = tpu.memref_squeeze %dma_wait3A_132 : memref<1x128x64xf32, #tpu.memory_space<vmem>> -> memref<128x64xf32, #tpu.memory_space<vmem>>
    %dma_wait3A_134 = arith.constant 128 : i32
    %dma_wait3A_135 = tpu.memref_slice %arg5[%dma_wait3A_134] : memref<6400xi32, #tpu.memory_space<vmem>> -> memref<128xi32, #tpu.memory_space<vmem>>
    %dma_wait3A_136 = arith.constant 0 : i32
    %dma_wait3A_137 = arith.constant 0 : i32
    %dma_wait3A_138 = tpu.memref_slice %arg3[%dma_wait3A_136, %dma_wait3A_137] : memref<1000000x64xf32, #tpu.memory_space<hbm>> -> memref<1000000x64xf32, #tpu.memory_space<hbm>>
    %dma_wait3A_139 = tpu.memref_slice %arg7[%dma_wait3A_129] : memref<5x!tpu.dma_semaphore, #tpu.memory_space<semaphore_mem>> -> memref<1x!tpu.dma_semaphore, #tpu.memory_space<semaphore_mem>>
    %dma_wait3A_140 = tpu.memref_squeeze %dma_wait3A_139 : memref<1x!tpu.dma_semaphore, #tpu.memory_space<semaphore_mem>> -> memref<!tpu.dma_semaphore, #tpu.memory_space<semaphore_mem>>
    tpu.wait_indirect_dma semaphore(%dma_wait3A_140 : memref<!tpu.dma_semaphore, #tpu.memory_space<semaphore_mem>>) src(%dma_wait3A_138 : memref<1000000x64xf32, #tpu.memory_space<hbm>>) dst(%dma_wait3A_133 : memref<128x64xf32, #tpu.memory_space<vmem>>)
    %add3A_141 = arith.constant 128 : i32
    %add3A_142 = arith.addi %mul3A_2, %add3A_141 : i32
    %dma_start3A_143 = arith.constant 1 : i32
    %dma_start3A_144 = arith.constant 1 : i32
    %dma_start3A_145 = arith.constant 0 : i32
    %dma_start3A_146 = arith.constant 0 : i32
    %dma_start3A_147 = tpu.memref_slice %arg6[%dma_start3A_143, %dma_start3A_145, %dma_start3A_146] : memref<5x128x64xf32, #tpu.memory_space<vmem>> -> memref<1x128x64xf32, #tpu.memory_space<vmem>>
    %dma_start3A_148 = tpu.memref_squeeze %dma_start3A_147 : memref<1x128x64xf32, #tpu.memory_space<vmem>> -> memref<128x64xf32, #tpu.memory_space<vmem>>
    %dma_start3A_149 = arith.constant 0 : i32
    %dma_start3A_150 = tpu.memref_slice %arg4[%add3A_142, %dma_start3A_149] : memref<204800x64xf32, #tpu.memory_space<hbm>> -> memref<128x64xf32, #tpu.memory_space<hbm>>
    %dma_start3A_151 = tpu.memref_slice %arg8[%dma_start3A_144] : memref<5x!tpu.dma_semaphore, #tpu.memory_space<semaphore_mem>> -> memref<1x!tpu.dma_semaphore, #tpu.memory_space<semaphore_mem>>
    %dma_start3A_152 = tpu.memref_squeeze %dma_start3A_151 : memref<1x!tpu.dma_semaphore, #tpu.memory_space<semaphore_mem>> -> memref<!tpu.dma_semaphore, #tpu.memory_space<semaphore_mem>>
    %dma_start3A_153 = arith.constant 0 : i32
    %dma_start3A_154 = tpu.memref_slice %arg4[%add3A_142, %dma_start3A_153] : memref<204800x64xf32, #tpu.memory_space<hbm>> -> memref<128x64xf32, #tpu.memory_space<hbm>>
    %dma_start3A_155 = arith.constant 0 : i32
    %dma_start3A_156 = arith.constant 0 : i32
    %dma_start3A_157 = tpu.memref_slice %arg6[%dma_start3A_143, %dma_start3A_155, %dma_start3A_156] : memref<5x128x64xf32, #tpu.memory_space<vmem>> -> memref<1x128x64xf32, #tpu.memory_space<vmem>>
    %dma_start3A_158 = tpu.memref_squeeze %dma_start3A_157 : memref<1x128x64xf32, #tpu.memory_space<vmem>> -> memref<128x64xf32, #tpu.memory_space<vmem>>
    tpu.enqueue_dma source(%dma_start3A_158 : memref<128x64xf32, #tpu.memory_space<vmem>>) target(%dma_start3A_154 : memref<128x64xf32, #tpu.memory_space<hbm>>) target_semaphore(%dma_start3A_152 : memref<!tpu.dma_semaphore, #tpu.memory_space<semaphore_mem>>)
    %add3A_159 = arith.constant 128 : i32
    %add3A_160 = arith.addi %mul3A_2, %add3A_159 : i32
    %dma_wait3A_161 = arith.constant 1 : i32
    %dma_wait3A_162 = arith.constant 1 : i32
    %dma_wait3A_163 = arith.constant 0 : i32
    %dma_wait3A_164 = arith.constant 0 : i32
    %dma_wait3A_165 = tpu.memref_slice %arg6[%dma_wait3A_161, %dma_wait3A_163, %dma_wait3A_164] : memref<5x128x64xf32, #tpu.memory_space<vmem>> -> memref<1x128x64xf32, #tpu.memory_space<vmem>>
    %dma_wait3A_166 = tpu.memref_squeeze %dma_wait3A_165 : memref<1x128x64xf32, #tpu.memory_space<vmem>> -> memref<128x64xf32, #tpu.memory_space<vmem>>
    %dma_wait3A_167 = arith.constant 0 : i32
    %dma_wait3A_168 = tpu.memref_slice %arg4[%add3A_160, %dma_wait3A_167] : memref<204800x64xf32, #tpu.memory_space<hbm>> -> memref<128x64xf32, #tpu.memory_space<hbm>>
    %dma_wait3A_169 = tpu.memref_slice %arg8[%dma_wait3A_162] : memref<5x!tpu.dma_semaphore, #tpu.memory_space<semaphore_mem>> -> memref<1x!tpu.dma_semaphore, #tpu.memory_space<semaphore_mem>>
    %dma_wait3A_170 = tpu.memref_squeeze %dma_wait3A_169 : memref<1x!tpu.dma_semaphore, #tpu.memory_space<semaphore_mem>> -> memref<!tpu.dma_semaphore, #tpu.memory_space<semaphore_mem>>
    %dma_wait3A_171 = arith.constant 0 : i32
    %dma_wait3A_172 = tpu.memref_slice %arg4[%add3A_160, %dma_wait3A_171] : memref<204800x64xf32, #tpu.memory_space<hbm>> -> memref<128x64xf32, #tpu.memory_space<hbm>>
    %dma_wait3A_173 = arith.constant 0 : i32
    %dma_wait3A_174 = arith.constant 0 : i32
    %dma_wait3A_175 = tpu.memref_slice %arg6[%dma_wait3A_161, %dma_wait3A_173, %dma_wait3A_174] : memref<5x128x64xf32, #tpu.memory_space<vmem>> -> memref<1x128x64xf32, #tpu.memory_space<vmem>>
    %dma_wait3A_176 = tpu.memref_squeeze %dma_wait3A_175 : memref<1x128x64xf32, #tpu.memory_space<vmem>> -> memref<128x64xf32, #tpu.memory_space<vmem>>
    tpu.wait_dma2 semaphore(%dma_wait3A_170 : memref<!tpu.dma_semaphore, #tpu.memory_space<semaphore_mem>>) src(%dma_wait3A_176 : memref<128x64xf32, #tpu.memory_space<vmem>>) dst(%dma_wait3A_172 : memref<128x64xf32, #tpu.memory_space<hbm>>)
    %dma_start3A_177 = arith.constant 1 : i32
    %dma_start3A_178 = arith.constant 1 : i32
    %dma_start3A_179 = arith.constant 0 : i32
    %dma_start3A_180 = arith.constant 0 : i32
    %dma_start3A_181 = tpu.memref_slice %arg6[%dma_start3A_177, %dma_start3A_179, %dma_start3A_180] : memref<5x128x64xf32, #tpu.memory_space<vmem>> -> memref<1x128x64xf32, #tpu.memory_space<vmem>>
    %dma_start3A_182 = tpu.memref_squeeze %dma_start3A_181 : memref<1x128x64xf32, #tpu.memory_space<vmem>> -> memref<128x64xf32, #tpu.memory_space<vmem>>
    %dma_start3A_183 = arith.constant 768 : i32
    %dma_start3A_184 = tpu.memref_slice %arg5[%dma_start3A_183] : memref<6400xi32, #tpu.memory_space<vmem>> -> memref<128xi32, #tpu.memory_space<vmem>>
    %dma_start3A_185 = arith.constant 0 : i32
    %dma_start3A_186 = arith.constant 0 : i32
    %dma_start3A_187 = tpu.memref_slice %arg3[%dma_start3A_185, %dma_start3A_186] : memref<1000000x64xf32, #tpu.memory_space<hbm>> -> memref<1000000x64xf32, #tpu.memory_space<hbm>>
    %dma_start3A_188 = tpu.memref_slice %arg7[%dma_start3A_178] : memref<5x!tpu.dma_semaphore, #tpu.memory_space<semaphore_mem>> -> memref<1x!tpu.dma_semaphore, #tpu.memory_space<semaphore_mem>>
    %dma_start3A_189 = tpu.memref_squeeze %dma_start3A_188 : memref<1x!tpu.dma_semaphore, #tpu.memory_space<semaphore_mem>> -> memref<!tpu.dma_semaphore, #tpu.memory_space<semaphore_mem>>
    tpu.enqueue_indirect_dma source(%dma_start3A_187 : memref<1000000x64xf32, #tpu.memory_space<hbm>>) target(%dma_start3A_182 : memref<128x64xf32, #tpu.memory_space<vmem>>) offsets(%dma_start3A_184 : memref<128xi32, #tpu.memory_space<vmem>>) semaphore(%dma_start3A_189 : memref<!tpu.dma_semaphore, #tpu.memory_space<semaphore_mem>>)
    %dma_wait3A_190 = arith.constant 2 : i32
    %dma_wait3A_191 = arith.constant 2 : i32
    %dma_wait3A_192 = arith.constant 0 : i32
    %dma_wait3A_193 = arith.constant 0 : i32
    %dma_wait3A_194 = tpu.memref_slice %arg6[%dma_wait3A_190, %dma_wait3A_192, %dma_wait3A_193] : memref<5x128x64xf32, #tpu.memory_space<vmem>> -> memref<1x128x64xf32, #tpu.memory_space<vmem>>
    %dma_wait3A_195 = tpu.memref_squeeze %dma_wait3A_194 : memref<1x128x64xf32, #tpu.memory_space<vmem>> -> memref<128x64xf32, #tpu.memory_space<vmem>>
    %dma_wait3A_196 = arith.constant 256 : i32
    %dma_wait3A_197 = tpu.memref_slice %arg5[%dma_wait3A_196] : memref<6400xi32, #tpu.memory_space<vmem>> -> memref<128xi32, #tpu.memory_space<vmem>>
    %dma_wait3A_198 = arith.constant 0 : i32
    %dma_wait3A_199 = arith.constant 0 : i32
    %dma_wait3A_200 = tpu.memref_slice %arg3[%dma_wait3A_198, %dma_wait3A_199] : memref<1000000x64xf32, #tpu.memory_space<hbm>> -> memref<1000000x64xf32, #tpu.memory_space<hbm>>
    %dma_wait3A_201 = tpu.memref_slice %arg7[%dma_wait3A_191] : memref<5x!tpu.dma_semaphore, #tpu.memory_space<semaphore_mem>> -> memref<1x!tpu.dma_semaphore, #tpu.memory_space<semaphore_mem>>
    %dma_wait3A_202 = tpu.memref_squeeze %dma_wait3A_201 : memref<1x!tpu.dma_semaphore, #tpu.memory_space<semaphore_mem>> -> memref<!tpu.dma_semaphore, #tpu.memory_space<semaphore_mem>>
    tpu.wait_indirect_dma semaphore(%dma_wait3A_202 : memref<!tpu.dma_semaphore, #tpu.memory_space<semaphore_mem>>) src(%dma_wait3A_200 : memref<1000000x64xf32, #tpu.memory_space<hbm>>) dst(%dma_wait3A_195 : memref<128x64xf32, #tpu.memory_space<vmem>>)
    %add3A_203 = arith.constant 256 : i32
    %add3A_204 = arith.addi %mul3A_2, %add3A_203 : i32
    %dma_start3A_205 = arith.constant 2 : i32
    %dma_start3A_206 = arith.constant 2 : i32
    %dma_start3A_207 = arith.constant 0 : i32
    %dma_start3A_208 = arith.constant 0 : i32
    %dma_start3A_209 = tpu.memref_slice %arg6[%dma_start3A_205, %dma_start3A_207, %dma_start3A_208] : memref<5x128x64xf32, #tpu.memory_space<vmem>> -> memref<1x128x64xf32, #tpu.memory_space<vmem>>
    %dma_start3A_210 = tpu.memref_squeeze %dma_start3A_209 : memref<1x128x64xf32, #tpu.memory_space<vmem>> -> memref<128x64xf32, #tpu.memory_space<vmem>>
    %dma_start3A_211 = arith.constant 0 : i32
    %dma_start3A_212 = tpu.memref_slice %arg4[%add3A_204, %dma_start3A_211] : memref<204800x64xf32, #tpu.memory_space<hbm>> -> memref<128x64xf32, #tpu.memory_space<hbm>>
    %dma_start3A_213 = tpu.memref_slice %arg8[%dma_start3A_206] : memref<5x!tpu.dma_semaphore, #tpu.memory_space<semaphore_mem>> -> memref<1x!tpu.dma_semaphore, #tpu.memory_space<semaphore_mem>>
    %dma_start3A_214 = tpu.memref_squeeze %dma_start3A_213 : memref<1x!tpu.dma_semaphore, #tpu.memory_space<semaphore_mem>> -> memref<!tpu.dma_semaphore, #tpu.memory_space<semaphore_mem>>
    %dma_start3A_215 = arith.constant 0 : i32
    %dma_start3A_216 = tpu.memref_slice %arg4[%add3A_204, %dma_start3A_215] : memref<204800x64xf32, #tpu.memory_space<hbm>> -> memref<128x64xf32, #tpu.memory_space<hbm>>
    %dma_start3A_217 = arith.constant 0 : i32
    %dma_start3A_218 = arith.constant 0 : i32
    %dma_start3A_219 = tpu.memref_slice %arg6[%dma_start3A_205, %dma_start3A_217, %dma_start3A_218] : memref<5x128x64xf32, #tpu.memory_space<vmem>> -> memref<1x128x64xf32, #tpu.memory_space<vmem>>
    %dma_start3A_220 = tpu.memref_squeeze %dma_start3A_219 : memref<1x128x64xf32, #tpu.memory_space<vmem>> -> memref<128x64xf32, #tpu.memory_space<vmem>>
    tpu.enqueue_dma source(%dma_start3A_220 : memref<128x64xf32, #tpu.memory_space<vmem>>) target(%dma_start3A_216 : memref<128x64xf32, #tpu.memory_space<hbm>>) target_semaphore(%dma_start3A_214 : memref<!tpu.dma_semaphore, #tpu.memory_space<semaphore_mem>>)
    %add3A_221 = arith.constant 256 : i32
    %add3A_222 = arith.addi %mul3A_2, %add3A_221 : i32
    %dma_wait3A_223 = arith.constant 2 : i32
    %dma_wait3A_224 = arith.constant 2 : i32
    %dma_wait3A_225 = arith.constant 0 : i32
    %dma_wait3A_226 = arith.constant 0 : i32
    %dma_wait3A_227 = tpu.memref_slice %arg6[%dma_wait3A_223, %dma_wait3A_225, %dma_wait3A_226] : memref<5x128x64xf32, #tpu.memory_space<vmem>> -> memref<1x128x64xf32, #tpu.memory_space<vmem>>
    %dma_wait3A_228 = tpu.memref_squeeze %dma_wait3A_227 : memref<1x128x64xf32, #tpu.memory_space<vmem>> -> memref<128x64xf32, #tpu.memory_space<vmem>>
    %dma_wait3A_229 = arith.constant 0 : i32
    %dma_wait3A_230 = tpu.memref_slice %arg4[%add3A_222, %dma_wait3A_229] : memref<204800x64xf32, #tpu.memory_space<hbm>> -> memref<128x64xf32, #tpu.memory_space<hbm>>
    %dma_wait3A_231 = tpu.memref_slice %arg8[%dma_wait3A_224] : memref<5x!tpu.dma_semaphore, #tpu.memory_space<semaphore_mem>> -> memref<1x!tpu.dma_semaphore, #tpu.memory_space<semaphore_mem>>
    %dma_wait3A_232 = tpu.memref_squeeze %dma_wait3A_231 : memref<1x!tpu.dma_semaphore, #tpu.memory_space<semaphore_mem>> -> memref<!tpu.dma_semaphore, #tpu.memory_space<semaphore_mem>>
    %dma_wait3A_233 = arith.constant 0 : i32
    %dma_wait3A_234 = tpu.memref_slice %arg4[%add3A_222, %dma_wait3A_233] : memref<204800x64xf32, #tpu.memory_space<hbm>> -> memref<128x64xf32, #tpu.memory_space<hbm>>
    %dma_wait3A_235 = arith.constant 0 : i32
    %dma_wait3A_236 = arith.constant 0 : i32
    %dma_wait3A_237 = tpu.memref_slice %arg6[%dma_wait3A_223, %dma_wait3A_235, %dma_wait3A_236] : memref<5x128x64xf32, #tpu.memory_space<vmem>> -> memref<1x128x64xf32, #tpu.memory_space<vmem>>
    %dma_wait3A_238 = tpu.memref_squeeze %dma_wait3A_237 : memref<1x128x64xf32, #tpu.memory_space<vmem>> -> memref<128x64xf32, #tpu.memory_space<vmem>>
    tpu.wait_dma2 semaphore(%dma_wait3A_232 : memref<!tpu.dma_semaphore, #tpu.memory_space<semaphore_mem>>) src(%dma_wait3A_238 : memref<128x64xf32, #tpu.memory_space<vmem>>) dst(%dma_wait3A_234 : memref<128x64xf32, #tpu.memory_space<hbm>>)
    %dma_start3A_239 = arith.constant 2 : i32
    %dma_start3A_240 = arith.constant 2 : i32
    %dma_start3A_241 = arith.constant 0 : i32
    %dma_start3A_242 = arith.constant 0 : i32
    %dma_start3A_243 = tpu.memref_slice %arg6[%dma_start3A_239, %dma_start3A_241, %dma_start3A_242] : memref<5x128x64xf32, #tpu.memory_space<vmem>> -> memref<1x128x64xf32, #tpu.memory_space<vmem>>
    %dma_start3A_244 = tpu.memref_squeeze %dma_start3A_243 : memref<1x128x64xf32, #tpu.memory_space<vmem>> -> memref<128x64xf32, #tpu.memory_space<vmem>>
    %dma_start3A_245 = arith.constant 896 : i32
    %dma_start3A_246 = tpu.memref_slice %arg5[%dma_start3A_245] : memref<6400xi32, #tpu.memory_space<vmem>> -> memref<128xi32, #tpu.memory_space<vmem>>
    %dma_start3A_247 = arith.constant 0 : i32
    %dma_start3A_248 = arith.constant 0 : i32
    %dma_start3A_249 = tpu.memref_slice %arg3[%dma_start3A_247, %dma_start3A_248] : memref<1000000x64xf32, #tpu.memory_space<hbm>> -> memref<1000000x64xf32, #tpu.memory_space<hbm>>
    %dma_start3A_250 = tpu.memref_slice %arg7[%dma_start3A_240] : memref<5x!tpu.dma_semaphore, #tpu.memory_space<semaphore_mem>> -> memref<1x!tpu.dma_semaphore, #tpu.memory_space<semaphore_mem>>
    %dma_start3A_251 = tpu.memref_squeeze %dma_start3A_250 : memref<1x!tpu.dma_semaphore, #tpu.memory_space<semaphore_mem>> -> memref<!tpu.dma_semaphore, #tpu.memory_space<semaphore_mem>>
    tpu.enqueue_indirect_dma source(%dma_start3A_249 : memref<1000000x64xf32, #tpu.memory_space<hbm>>) target(%dma_start3A_244 : memref<128x64xf32, #tpu.memory_space<vmem>>) offsets(%dma_start3A_246 : memref<128xi32, #tpu.memory_space<vmem>>) semaphore(%dma_start3A_251 : memref<!tpu.dma_semaphore, #tpu.memory_space<semaphore_mem>>)
    %dma_wait3A_252 = arith.constant 3 : i32
    %dma_wait3A_253 = arith.constant 3 : i32
    %dma_wait3A_254 = arith.constant 0 : i32
    %dma_wait3A_255 = arith.constant 0 : i32
    %dma_wait3A_256 = tpu.memref_slice %arg6[%dma_wait3A_252, %dma_wait3A_254, %dma_wait3A_255] : memref<5x128x64xf32, #tpu.memory_space<vmem>> -> memref<1x128x64xf32, #tpu.memory_space<vmem>>
    %dma_wait3A_257 = tpu.memref_squeeze %dma_wait3A_256 : memref<1x128x64xf32, #tpu.memory_space<vmem>> -> memref<128x64xf32, #tpu.memory_space<vmem>>
    %dma_wait3A_258 = arith.constant 384 : i32
    %dma_wait3A_259 = tpu.memref_slice %arg5[%dma_wait3A_258] : memref<6400xi32, #tpu.memory_space<vmem>> -> memref<128xi32, #tpu.memory_space<vmem>>
    %dma_wait3A_260 = arith.constant 0 : i32
    %dma_wait3A_261 = arith.constant 0 : i32
    %dma_wait3A_262 = tpu.memref_slice %arg3[%dma_wait3A_260, %dma_wait3A_261] : memref<1000000x64xf32, #tpu.memory_space<hbm>> -> memref<1000000x64xf32, #tpu.memory_space<hbm>>
    %dma_wait3A_263 = tpu.memref_slice %arg7[%dma_wait3A_253] : memref<5x!tpu.dma_semaphore, #tpu.memory_space<semaphore_mem>> -> memref<1x!tpu.dma_semaphore, #tpu.memory_space<semaphore_mem>>
    %dma_wait3A_264 = tpu.memref_squeeze %dma_wait3A_263 : memref<1x!tpu.dma_semaphore, #tpu.memory_space<semaphore_mem>> -> memref<!tpu.dma_semaphore, #tpu.memory_space<semaphore_mem>>
    tpu.wait_indirect_dma semaphore(%dma_wait3A_264 : memref<!tpu.dma_semaphore, #tpu.memory_space<semaphore_mem>>) src(%dma_wait3A_262 : memref<1000000x64xf32, #tpu.memory_space<hbm>>) dst(%dma_wait3A_257 : memref<128x64xf32, #tpu.memory_space<vmem>>)
    %add3A_265 = arith.constant 384 : i32
    %add3A_266 = arith.addi %mul3A_2, %add3A_265 : i32
    %dma_start3A_267 = arith.constant 3 : i32
    %dma_start3A_268 = arith.constant 3 : i32
    %dma_start3A_269 = arith.constant 0 : i32
    %dma_start3A_270 = arith.constant 0 : i32
    %dma_start3A_271 = tpu.memref_slice %arg6[%dma_start3A_267, %dma_start3A_269, %dma_start3A_270] : memref<5x128x64xf32, #tpu.memory_space<vmem>> -> memref<1x128x64xf32, #tpu.memory_space<vmem>>
    %dma_start3A_272 = tpu.memref_squeeze %dma_start3A_271 : memref<1x128x64xf32, #tpu.memory_space<vmem>> -> memref<128x64xf32, #tpu.memory_space<vmem>>
    %dma_start3A_273 = arith.constant 0 : i32
    %dma_start3A_274 = tpu.memref_slice %arg4[%add3A_266, %dma_start3A_273] : memref<204800x64xf32, #tpu.memory_space<hbm>> -> memref<128x64xf32, #tpu.memory_space<hbm>>
    %dma_start3A_275 = tpu.memref_slice %arg8[%dma_start3A_268] : memref<5x!tpu.dma_semaphore, #tpu.memory_space<semaphore_mem>> -> memref<1x!tpu.dma_semaphore, #tpu.memory_space<semaphore_mem>>
    %dma_start3A_276 = tpu.memref_squeeze %dma_start3A_275 : memref<1x!tpu.dma_semaphore, #tpu.memory_space<semaphore_mem>> -> memref<!tpu.dma_semaphore, #tpu.memory_space<semaphore_mem>>
    %dma_start3A_277 = arith.constant 0 : i32
    %dma_start3A_278 = tpu.memref_slice %arg4[%add3A_266, %dma_start3A_277] : memref<204800x64xf32, #tpu.memory_space<hbm>> -> memref<128x64xf32, #tpu.memory_space<hbm>>
    %dma_start3A_279 = arith.constant 0 : i32
    %dma_start3A_280 = arith.constant 0 : i32
    %dma_start3A_281 = tpu.memref_slice %arg6[%dma_start3A_267, %dma_start3A_279, %dma_start3A_280] : memref<5x128x64xf32, #tpu.memory_space<vmem>> -> memref<1x128x64xf32, #tpu.memory_space<vmem>>
    %dma_start3A_282 = tpu.memref_squeeze %dma_start3A_281 : memref<1x128x64xf32, #tpu.memory_space<vmem>> -> memref<128x64xf32, #tpu.memory_space<vmem>>
    tpu.enqueue_dma source(%dma_start3A_282 : memref<128x64xf32, #tpu.memory_space<vmem>>) target(%dma_start3A_278 : memref<128x64xf32, #tpu.memory_space<hbm>>) target_semaphore(%dma_start3A_276 : memref<!tpu.dma_semaphore, #tpu.memory_space<semaphore_mem>>)
    %add3A_283 = arith.constant 384 : i32
    %add3A_284 = arith.addi %mul3A_2, %add3A_283 : i32
    %dma_wait3A_285 = arith.constant 3 : i32
    %dma_wait3A_286 = arith.constant 3 : i32
    %dma_wait3A_287 = arith.constant 0 : i32
    %dma_wait3A_288 = arith.constant 0 : i32
    %dma_wait3A_289 = tpu.memref_slice %arg6[%dma_wait3A_285, %dma_wait3A_287, %dma_wait3A_288] : memref<5x128x64xf32, #tpu.memory_space<vmem>> -> memref<1x128x64xf32, #tpu.memory_space<vmem>>
    %dma_wait3A_290 = tpu.memref_squeeze %dma_wait3A_289 : memref<1x128x64xf32, #tpu.memory_space<vmem>> -> memref<128x64xf32, #tpu.memory_space<vmem>>
    %dma_wait3A_291 = arith.constant 0 : i32
    %dma_wait3A_292 = tpu.memref_slice %arg4[%add3A_284, %dma_wait3A_291] : memref<204800x64xf32, #tpu.memory_space<hbm>> -> memref<128x64xf32, #tpu.memory_space<hbm>>
    %dma_wait3A_293 = tpu.memref_slice %arg8[%dma_wait3A_286] : memref<5x!tpu.dma_semaphore, #tpu.memory_space<semaphore_mem>> -> memref<1x!tpu.dma_semaphore, #tpu.memory_space<semaphore_mem>>
    %dma_wait3A_294 = tpu.memref_squeeze %dma_wait3A_293 : memref<1x!tpu.dma_semaphore, #tpu.memory_space<semaphore_mem>> -> memref<!tpu.dma_semaphore, #tpu.memory_space<semaphore_mem>>
    %dma_wait3A_295 = arith.constant 0 : i32
    %dma_wait3A_296 = tpu.memref_slice %arg4[%add3A_284, %dma_wait3A_295] : memref<204800x64xf32, #tpu.memory_space<hbm>> -> memref<128x64xf32, #tpu.memory_space<hbm>>
    %dma_wait3A_297 = arith.constant 0 : i32
    %dma_wait3A_298 = arith.constant 0 : i32
    %dma_wait3A_299 = tpu.memref_slice %arg6[%dma_wait3A_285, %dma_wait3A_297, %dma_wait3A_298] : memref<5x128x64xf32, #tpu.memory_space<vmem>> -> memref<1x128x64xf32, #tpu.memory_space<vmem>>
    %dma_wait3A_300 = tpu.memref_squeeze %dma_wait3A_299 : memref<1x128x64xf32, #tpu.memory_space<vmem>> -> memref<128x64xf32, #tpu.memory_space<vmem>>
    tpu.wait_dma2 semaphore(%dma_wait3A_294 : memref<!tpu.dma_semaphore, #tpu.memory_space<semaphore_mem>>) src(%dma_wait3A_300 : memref<128x64xf32, #tpu.memory_space<vmem>>) dst(%dma_wait3A_296 : memref<128x64xf32, #tpu.memory_space<hbm>>)
    %dma_start3A_301 = arith.constant 3 : i32
    %dma_start3A_302 = arith.constant 3 : i32
    %dma_start3A_303 = arith.constant 0 : i32
    %dma_start3A_304 = arith.constant 0 : i32
    %dma_start3A_305 = tpu.memref_slice %arg6[%dma_start3A_301, %dma_start3A_303, %dma_start3A_304] : memref<5x128x64xf32, #tpu.memory_space<vmem>> -> memref<1x128x64xf32, #tpu.memory_space<vmem>>
    %dma_start3A_306 = tpu.memref_squeeze %dma_start3A_305 : memref<1x128x64xf32, #tpu.memory_space<vmem>> -> memref<128x64xf32, #tpu.memory_space<vmem>>
    %dma_start3A_307 = arith.constant 1024 : i32
    %dma_start3A_308 = tpu.memref_slice %arg5[%dma_start3A_307] : memref<6400xi32, #tpu.memory_space<vmem>> -> memref<128xi32, #tpu.memory_space<vmem>>
    %dma_start3A_309 = arith.constant 0 : i32
    %dma_start3A_310 = arith.constant 0 : i32
    %dma_start3A_311 = tpu.memref_slice %arg3[%dma_start3A_309, %dma_start3A_310] : memref<1000000x64xf32, #tpu.memory_space<hbm>> -> memref<1000000x64xf32, #tpu.memory_space<hbm>>
    %dma_start3A_312 = tpu.memref_slice %arg7[%dma_start3A_302] : memref<5x!tpu.dma_semaphore, #tpu.memory_space<semaphore_mem>> -> memref<1x!tpu.dma_semaphore, #tpu.memory_space<semaphore_mem>>
    %dma_start3A_313 = tpu.memref_squeeze %dma_start3A_312 : memref<1x!tpu.dma_semaphore, #tpu.memory_space<semaphore_mem>> -> memref<!tpu.dma_semaphore, #tpu.memory_space<semaphore_mem>>
    tpu.enqueue_indirect_dma source(%dma_start3A_311 : memref<1000000x64xf32, #tpu.memory_space<hbm>>) target(%dma_start3A_306 : memref<128x64xf32, #tpu.memory_space<vmem>>) offsets(%dma_start3A_308 : memref<128xi32, #tpu.memory_space<vmem>>) semaphore(%dma_start3A_313 : memref<!tpu.dma_semaphore, #tpu.memory_space<semaphore_mem>>)
    %dma_wait3A_314 = arith.constant 4 : i32
    %dma_wait3A_315 = arith.constant 4 : i32
    %dma_wait3A_316 = arith.constant 0 : i32
    %dma_wait3A_317 = arith.constant 0 : i32
    %dma_wait3A_318 = tpu.memref_slice %arg6[%dma_wait3A_314, %dma_wait3A_316, %dma_wait3A_317] : memref<5x128x64xf32, #tpu.memory_space<vmem>> -> memref<1x128x64xf32, #tpu.memory_space<vmem>>
    %dma_wait3A_319 = tpu.memref_squeeze %dma_wait3A_318 : memref<1x128x64xf32, #tpu.memory_space<vmem>> -> memref<128x64xf32, #tpu.memory_space<vmem>>
    %dma_wait3A_320 = arith.constant 512 : i32
    %dma_wait3A_321 = tpu.memref_slice %arg5[%dma_wait3A_320] : memref<6400xi32, #tpu.memory_space<vmem>> -> memref<128xi32, #tpu.memory_space<vmem>>
    %dma_wait3A_322 = arith.constant 0 : i32
    %dma_wait3A_323 = arith.constant 0 : i32
    %dma_wait3A_324 = tpu.memref_slice %arg3[%dma_wait3A_322, %dma_wait3A_323] : memref<1000000x64xf32, #tpu.memory_space<hbm>> -> memref<1000000x64xf32, #tpu.memory_space<hbm>>
    %dma_wait3A_325 = tpu.memref_slice %arg7[%dma_wait3A_315] : memref<5x!tpu.dma_semaphore, #tpu.memory_space<semaphore_mem>> -> memref<1x!tpu.dma_semaphore, #tpu.memory_space<semaphore_mem>>
    %dma_wait3A_326 = tpu.memref_squeeze %dma_wait3A_325 : memref<1x!tpu.dma_semaphore, #tpu.memory_space<semaphore_mem>> -> memref<!tpu.dma_semaphore, #tpu.memory_space<semaphore_mem>>
    tpu.wait_indirect_dma semaphore(%dma_wait3A_326 : memref<!tpu.dma_semaphore, #tpu.memory_space<semaphore_mem>>) src(%dma_wait3A_324 : memref<1000000x64xf32, #tpu.memory_space<hbm>>) dst(%dma_wait3A_319 : memref<128x64xf32, #tpu.memory_space<vmem>>)
    %add3A_327 = arith.constant 512 : i32
    %add3A_328 = arith.addi %mul3A_2, %add3A_327 : i32
    %dma_start3A_329 = arith.constant 4 : i32
    %dma_start3A_330 = arith.constant 4 : i32
    %dma_start3A_331 = arith.constant 0 : i32
    %dma_start3A_332 = arith.constant 0 : i32
    %dma_start3A_333 = tpu.memref_slice %arg6[%dma_start3A_329, %dma_start3A_331, %dma_start3A_332] : memref<5x128x64xf32, #tpu.memory_space<vmem>> -> memref<1x128x64xf32, #tpu.memory_space<vmem>>
    %dma_start3A_334 = tpu.memref_squeeze %dma_start3A_333 : memref<1x128x64xf32, #tpu.memory_space<vmem>> -> memref<128x64xf32, #tpu.memory_space<vmem>>
    %dma_start3A_335 = arith.constant 0 : i32
    %dma_start3A_336 = tpu.memref_slice %arg4[%add3A_328, %dma_start3A_335] : memref<204800x64xf32, #tpu.memory_space<hbm>> -> memref<128x64xf32, #tpu.memory_space<hbm>>
    %dma_start3A_337 = tpu.memref_slice %arg8[%dma_start3A_330] : memref<5x!tpu.dma_semaphore, #tpu.memory_space<semaphore_mem>> -> memref<1x!tpu.dma_semaphore, #tpu.memory_space<semaphore_mem>>
    %dma_start3A_338 = tpu.memref_squeeze %dma_start3A_337 : memref<1x!tpu.dma_semaphore, #tpu.memory_space<semaphore_mem>> -> memref<!tpu.dma_semaphore, #tpu.memory_space<semaphore_mem>>
    %dma_start3A_339 = arith.constant 0 : i32
    %dma_start3A_340 = tpu.memref_slice %arg4[%add3A_328, %dma_start3A_339] : memref<204800x64xf32, #tpu.memory_space<hbm>> -> memref<128x64xf32, #tpu.memory_space<hbm>>
    %dma_start3A_341 = arith.constant 0 : i32
    %dma_start3A_342 = arith.constant 0 : i32
    %dma_start3A_343 = tpu.memref_slice %arg6[%dma_start3A_329, %dma_start3A_341, %dma_start3A_342] : memref<5x128x64xf32, #tpu.memory_space<vmem>> -> memref<1x128x64xf32, #tpu.memory_space<vmem>>
    %dma_start3A_344 = tpu.memref_squeeze %dma_start3A_343 : memref<1x128x64xf32, #tpu.memory_space<vmem>> -> memref<128x64xf32, #tpu.memory_space<vmem>>
    tpu.enqueue_dma source(%dma_start3A_344 : memref<128x64xf32, #tpu.memory_space<vmem>>) target(%dma_start3A_340 : memref<128x64xf32, #tpu.memory_space<hbm>>) target_semaphore(%dma_start3A_338 : memref<!tpu.dma_semaphore, #tpu.memory_space<semaphore_mem>>)
    %scan3A = arith.constant 1 : i32
    %scan3A_345 = arith.constant 8 : i32
    %scan3A_346 = arith.addi %scan3A, %scan3A_345 : i32
    %scan3A_347 = arith.constant 1 : i32
    scf.for %scan3A_625 = %scan3A to %scan3A_346 step %scan3A_347  : i32 {
      %mul3A_626 = arith.constant 5 : i32
      %mul3A_627 = arith.muli %scan3A_625, %mul3A_626 : i32
      %add3A_628 = arith.constant 0 : i32
      %add3A_629 = arith.addi %mul3A_627, %add3A_628 : i32
      %add3A_630 = arith.constant 4 : i32
      %add3A_631 = arith.addi %add3A_629, %add3A_630 : i32
      %sub3A = arith.constant 5 : i32
      %sub3A_632 = arith.subi %add3A_631, %sub3A : i32
      %mul3A_633 = arith.constant 128 : i32
      %mul3A_634 = arith.muli %sub3A_632, %mul3A_633 : i32
      %add3A_635 = arith.addi %mul3A_2, %mul3A_634 : i32
      %dma_wait3A_636 = arith.constant 4 : i32
      %dma_wait3A_637 = arith.constant 4 : i32
      %dma_wait3A_638 = arith.constant 0 : i32
      %dma_wait3A_639 = arith.constant 0 : i32
      %dma_wait3A_640 = tpu.memref_slice %arg6[%dma_wait3A_636, %dma_wait3A_638, %dma_wait3A_639] : memref<5x128x64xf32, #tpu.memory_space<vmem>> -> memref<1x128x64xf32, #tpu.memory_space<vmem>>
      %dma_wait3A_641 = tpu.memref_squeeze %dma_wait3A_640 : memref<1x128x64xf32, #tpu.memory_space<vmem>> -> memref<128x64xf32, #tpu.memory_space<vmem>>
      %dma_wait3A_642 = arith.constant 0 : i32
      %dma_wait3A_643 = tpu.memref_slice %arg4[%add3A_635, %dma_wait3A_642] : memref<204800x64xf32, #tpu.memory_space<hbm>> -> memref<128x64xf32, #tpu.memory_space<hbm>>
      %dma_wait3A_644 = tpu.memref_slice %arg8[%dma_wait3A_637] : memref<5x!tpu.dma_semaphore, #tpu.memory_space<semaphore_mem>> -> memref<1x!tpu.dma_semaphore, #tpu.memory_space<semaphore_mem>>
      %dma_wait3A_645 = tpu.memref_squeeze %dma_wait3A_644 : memref<1x!tpu.dma_semaphore, #tpu.memory_space<semaphore_mem>> -> memref<!tpu.dma_semaphore, #tpu.memory_space<semaphore_mem>>
      %dma_wait3A_646 = arith.constant 0 : i32
      %dma_wait3A_647 = tpu.memref_slice %arg4[%add3A_635, %dma_wait3A_646] : memref<204800x64xf32, #tpu.memory_space<hbm>> -> memref<128x64xf32, #tpu.memory_space<hbm>>
      %dma_wait3A_648 = arith.constant 0 : i32
      %dma_wait3A_649 = arith.constant 0 : i32
      %dma_wait3A_650 = tpu.memref_slice %arg6[%dma_wait3A_636, %dma_wait3A_648, %dma_wait3A_649] : memref<5x128x64xf32, #tpu.memory_space<vmem>> -> memref<1x128x64xf32, #tpu.memory_space<vmem>>
      %dma_wait3A_651 = tpu.memref_squeeze %dma_wait3A_650 : memref<1x128x64xf32, #tpu.memory_space<vmem>> -> memref<128x64xf32, #tpu.memory_space<vmem>>
      tpu.wait_dma2 semaphore(%dma_wait3A_645 : memref<!tpu.dma_semaphore, #tpu.memory_space<semaphore_mem>>) src(%dma_wait3A_651 : memref<128x64xf32, #tpu.memory_space<vmem>>) dst(%dma_wait3A_647 : memref<128x64xf32, #tpu.memory_space<hbm>>)
      %add3A_652 = arith.constant 4 : i32
      %add3A_653 = arith.addi %add3A_629, %add3A_652 : i32
      %mul3A_654 = arith.constant 128 : i32
      %mul3A_655 = arith.muli %add3A_653, %mul3A_654 : i32
      %dma_start3A_656 = arith.constant 4 : i32
      %dma_start3A_657 = arith.constant 4 : i32
      %dma_start3A_658 = arith.constant 0 : i32
      %dma_start3A_659 = arith.constant 0 : i32
      %dma_start3A_660 = tpu.memref_slice %arg6[%dma_start3A_656, %dma_start3A_658, %dma_start3A_659] : memref<5x128x64xf32, #tpu.memory_space<vmem>> -> memref<1x128x64xf32, #tpu.memory_space<vmem>>
      %dma_start3A_661 = tpu.memref_squeeze %dma_start3A_660 : memref<1x128x64xf32, #tpu.memory_space<vmem>> -> memref<128x64xf32, #tpu.memory_space<vmem>>
      %dma_start3A_662 = tpu.memref_slice %arg5[%mul3A_655] : memref<6400xi32, #tpu.memory_space<vmem>> -> memref<128xi32, #tpu.memory_space<vmem>>
      %dma_start3A_663 = arith.constant 0 : i32
      %dma_start3A_664 = arith.constant 0 : i32
      %dma_start3A_665 = tpu.memref_slice %arg3[%dma_start3A_663, %dma_start3A_664] : memref<1000000x64xf32, #tpu.memory_space<hbm>> -> memref<1000000x64xf32, #tpu.memory_space<hbm>>
      %dma_start3A_666 = tpu.memref_slice %arg7[%dma_start3A_657] : memref<5x!tpu.dma_semaphore, #tpu.memory_space<semaphore_mem>> -> memref<1x!tpu.dma_semaphore, #tpu.memory_space<semaphore_mem>>
      %dma_start3A_667 = tpu.memref_squeeze %dma_start3A_666 : memref<1x!tpu.dma_semaphore, #tpu.memory_space<semaphore_mem>> -> memref<!tpu.dma_semaphore, #tpu.memory_space<semaphore_mem>>
      tpu.enqueue_indirect_dma source(%dma_start3A_665 : memref<1000000x64xf32, #tpu.memory_space<hbm>>) target(%dma_start3A_661 : memref<128x64xf32, #tpu.memory_space<vmem>>) offsets(%dma_start3A_662 : memref<128xi32, #tpu.memory_space<vmem>>) semaphore(%dma_start3A_667 : memref<!tpu.dma_semaphore, #tpu.memory_space<semaphore_mem>>)
      %mul3A_668 = arith.constant 128 : i32
      %mul3A_669 = arith.muli %add3A_629, %mul3A_668 : i32
      %dma_wait3A_670 = arith.constant 0 : i32
      %dma_wait3A_671 = arith.constant 0 : i32
      %dma_wait3A_672 = arith.constant 0 : i32
      %dma_wait3A_673 = arith.constant 0 : i32
      %dma_wait3A_674 = tpu.memref_slice %arg6[%dma_wait3A_670, %dma_wait3A_672, %dma_wait3A_673] : memref<5x128x64xf32, #tpu.memory_space<vmem>> -> memref<1x128x64xf32, #tpu.memory_space<vmem>>
      %dma_wait3A_675 = tpu.memref_squeeze %dma_wait3A_674 : memref<1x128x64xf32, #tpu.memory_space<vmem>> -> memref<128x64xf32, #tpu.memory_space<vmem>>
      %dma_wait3A_676 = tpu.memref_slice %arg5[%mul3A_669] : memref<6400xi32, #tpu.memory_space<vmem>> -> memref<128xi32, #tpu.memory_space<vmem>>
      %dma_wait3A_677 = arith.constant 0 : i32
      %dma_wait3A_678 = arith.constant 0 : i32
      %dma_wait3A_679 = tpu.memref_slice %arg3[%dma_wait3A_677, %dma_wait3A_678] : memref<1000000x64xf32, #tpu.memory_space<hbm>> -> memref<1000000x64xf32, #tpu.memory_space<hbm>>
      %dma_wait3A_680 = tpu.memref_slice %arg7[%dma_wait3A_671] : memref<5x!tpu.dma_semaphore, #tpu.memory_space<semaphore_mem>> -> memref<1x!tpu.dma_semaphore, #tpu.memory_space<semaphore_mem>>
      %dma_wait3A_681 = tpu.memref_squeeze %dma_wait3A_680 : memref<1x!tpu.dma_semaphore, #tpu.memory_space<semaphore_mem>> -> memref<!tpu.dma_semaphore, #tpu.memory_space<semaphore_mem>>
      tpu.wait_indirect_dma semaphore(%dma_wait3A_681 : memref<!tpu.dma_semaphore, #tpu.memory_space<semaphore_mem>>) src(%dma_wait3A_679 : memref<1000000x64xf32, #tpu.memory_space<hbm>>) dst(%dma_wait3A_675 : memref<128x64xf32, #tpu.memory_space<vmem>>)
      %mul3A_682 = arith.constant 128 : i32
      %mul3A_683 = arith.muli %add3A_629, %mul3A_682 : i32
      %add3A_684 = arith.addi %mul3A_2, %mul3A_683 : i32
      %dma_start3A_685 = arith.constant 0 : i32
      %dma_start3A_686 = arith.constant 0 : i32
      %dma_start3A_687 = arith.constant 0 : i32
      %dma_start3A_688 = arith.constant 0 : i32
      %dma_start3A_689 = tpu.memref_slice %arg6[%dma_start3A_685, %dma_start3A_687, %dma_start3A_688] : memref<5x128x64xf32, #tpu.memory_space<vmem>> -> memref<1x128x64xf32, #tpu.memory_space<vmem>>
      %dma_start3A_690 = tpu.memref_squeeze %dma_start3A_689 : memref<1x128x64xf32, #tpu.memory_space<vmem>> -> memref<128x64xf32, #tpu.memory_space<vmem>>
      %dma_start3A_691 = arith.constant 0 : i32
      %dma_start3A_692 = tpu.memref_slice %arg4[%add3A_684, %dma_start3A_691] : memref<204800x64xf32, #tpu.memory_space<hbm>> -> memref<128x64xf32, #tpu.memory_space<hbm>>
      %dma_start3A_693 = tpu.memref_slice %arg8[%dma_start3A_686] : memref<5x!tpu.dma_semaphore, #tpu.memory_space<semaphore_mem>> -> memref<1x!tpu.dma_semaphore, #tpu.memory_space<semaphore_mem>>
      %dma_start3A_694 = tpu.memref_squeeze %dma_start3A_693 : memref<1x!tpu.dma_semaphore, #tpu.memory_space<semaphore_mem>> -> memref<!tpu.dma_semaphore, #tpu.memory_space<semaphore_mem>>
      %dma_start3A_695 = arith.constant 0 : i32
      %dma_start3A_696 = tpu.memref_slice %arg4[%add3A_684, %dma_start3A_695] : memref<204800x64xf32, #tpu.memory_space<hbm>> -> memref<128x64xf32, #tpu.memory_space<hbm>>
      %dma_start3A_697 = arith.constant 0 : i32
      %dma_start3A_698 = arith.constant 0 : i32
      %dma_start3A_699 = tpu.memref_slice %arg6[%dma_start3A_685, %dma_start3A_697, %dma_start3A_698] : memref<5x128x64xf32, #tpu.memory_space<vmem>> -> memref<1x128x64xf32, #tpu.memory_space<vmem>>
      %dma_start3A_700 = tpu.memref_squeeze %dma_start3A_699 : memref<1x128x64xf32, #tpu.memory_space<vmem>> -> memref<128x64xf32, #tpu.memory_space<vmem>>
      tpu.enqueue_dma source(%dma_start3A_700 : memref<128x64xf32, #tpu.memory_space<vmem>>) target(%dma_start3A_696 : memref<128x64xf32, #tpu.memory_space<hbm>>) target_semaphore(%dma_start3A_694 : memref<!tpu.dma_semaphore, #tpu.memory_space<semaphore_mem>>)
      %mul3A_701 = arith.constant 5 : i32
      %mul3A_702 = arith.muli %scan3A_625, %mul3A_701 : i32
      %add3A_703 = arith.constant 1 : i32
      %add3A_704 = arith.addi %mul3A_702, %add3A_703 : i32
      %add3A_705 = arith.constant 4 : i32
      %add3A_706 = arith.addi %add3A_704, %add3A_705 : i32
      %sub3A_707 = arith.constant 5 : i32
      %sub3A_708 = arith.subi %add3A_706, %sub3A_707 : i32
      %mul3A_709 = arith.constant 128 : i32
      %mul3A_710 = arith.muli %sub3A_708, %mul3A_709 : i32
      %add3A_711 = arith.addi %mul3A_2, %mul3A_710 : i32
      %dma_wait3A_712 = arith.constant 0 : i32
      %dma_wait3A_713 = arith.constant 0 : i32
      %dma_wait3A_714 = arith.constant 0 : i32
      %dma_wait3A_715 = arith.constant 0 : i32
      %dma_wait3A_716 = tpu.memref_slice %arg6[%dma_wait3A_712, %dma_wait3A_714, %dma_wait3A_715] : memref<5x128x64xf32, #tpu.memory_space<vmem>> -> memref<1x128x64xf32, #tpu.memory_space<vmem>>
      %dma_wait3A_717 = tpu.memref_squeeze %dma_wait3A_716 : memref<1x128x64xf32, #tpu.memory_space<vmem>> -> memref<128x64xf32, #tpu.memory_space<vmem>>
      %dma_wait3A_718 = arith.constant 0 : i32
      %dma_wait3A_719 = tpu.memref_slice %arg4[%add3A_711, %dma_wait3A_718] : memref<204800x64xf32, #tpu.memory_space<hbm>> -> memref<128x64xf32, #tpu.memory_space<hbm>>
      %dma_wait3A_720 = tpu.memref_slice %arg8[%dma_wait3A_713] : memref<5x!tpu.dma_semaphore, #tpu.memory_space<semaphore_mem>> -> memref<1x!tpu.dma_semaphore, #tpu.memory_space<semaphore_mem>>
      %dma_wait3A_721 = tpu.memref_squeeze %dma_wait3A_720 : memref<1x!tpu.dma_semaphore, #tpu.memory_space<semaphore_mem>> -> memref<!tpu.dma_semaphore, #tpu.memory_space<semaphore_mem>>
      %dma_wait3A_722 = arith.constant 0 : i32
      %dma_wait3A_723 = tpu.memref_slice %arg4[%add3A_711, %dma_wait3A_722] : memref<204800x64xf32, #tpu.memory_space<hbm>> -> memref<128x64xf32, #tpu.memory_space<hbm>>
      %dma_wait3A_724 = arith.constant 0 : i32
      %dma_wait3A_725 = arith.constant 0 : i32
      %dma_wait3A_726 = tpu.memref_slice %arg6[%dma_wait3A_712, %dma_wait3A_724, %dma_wait3A_725] : memref<5x128x64xf32, #tpu.memory_space<vmem>> -> memref<1x128x64xf32, #tpu.memory_space<vmem>>
      %dma_wait3A_727 = tpu.memref_squeeze %dma_wait3A_726 : memref<1x128x64xf32, #tpu.memory_space<vmem>> -> memref<128x64xf32, #tpu.memory_space<vmem>>
      tpu.wait_dma2 semaphore(%dma_wait3A_721 : memref<!tpu.dma_semaphore, #tpu.memory_space<semaphore_mem>>) src(%dma_wait3A_727 : memref<128x64xf32, #tpu.memory_space<vmem>>) dst(%dma_wait3A_723 : memref<128x64xf32, #tpu.memory_space<hbm>>)
      %add3A_728 = arith.constant 4 : i32
      %add3A_729 = arith.addi %add3A_704, %add3A_728 : i32
      %mul3A_730 = arith.constant 128 : i32
      %mul3A_731 = arith.muli %add3A_729, %mul3A_730 : i32
      %dma_start3A_732 = arith.constant 0 : i32
      %dma_start3A_733 = arith.constant 0 : i32
      %dma_start3A_734 = arith.constant 0 : i32
      %dma_start3A_735 = arith.constant 0 : i32
      %dma_start3A_736 = tpu.memref_slice %arg6[%dma_start3A_732, %dma_start3A_734, %dma_start3A_735] : memref<5x128x64xf32, #tpu.memory_space<vmem>> -> memref<1x128x64xf32, #tpu.memory_space<vmem>>
      %dma_start3A_737 = tpu.memref_squeeze %dma_start3A_736 : memref<1x128x64xf32, #tpu.memory_space<vmem>> -> memref<128x64xf32, #tpu.memory_space<vmem>>
      %dma_start3A_738 = tpu.memref_slice %arg5[%mul3A_731] : memref<6400xi32, #tpu.memory_space<vmem>> -> memref<128xi32, #tpu.memory_space<vmem>>
      %dma_start3A_739 = arith.constant 0 : i32
      %dma_start3A_740 = arith.constant 0 : i32
      %dma_start3A_741 = tpu.memref_slice %arg3[%dma_start3A_739, %dma_start3A_740] : memref<1000000x64xf32, #tpu.memory_space<hbm>> -> memref<1000000x64xf32, #tpu.memory_space<hbm>>
      %dma_start3A_742 = tpu.memref_slice %arg7[%dma_start3A_733] : memref<5x!tpu.dma_semaphore, #tpu.memory_space<semaphore_mem>> -> memref<1x!tpu.dma_semaphore, #tpu.memory_space<semaphore_mem>>
      %dma_start3A_743 = tpu.memref_squeeze %dma_start3A_742 : memref<1x!tpu.dma_semaphore, #tpu.memory_space<semaphore_mem>> -> memref<!tpu.dma_semaphore, #tpu.memory_space<semaphore_mem>>
      tpu.enqueue_indirect_dma source(%dma_start3A_741 : memref<1000000x64xf32, #tpu.memory_space<hbm>>) target(%dma_start3A_737 : memref<128x64xf32, #tpu.memory_space<vmem>>) offsets(%dma_start3A_738 : memref<128xi32, #tpu.memory_space<vmem>>) semaphore(%dma_start3A_743 : memref<!tpu.dma_semaphore, #tpu.memory_space<semaphore_mem>>)
      %mul3A_744 = arith.constant 128 : i32
      %mul3A_745 = arith.muli %add3A_704, %mul3A_744 : i32
      %dma_wait3A_746 = arith.constant 1 : i32
      %dma_wait3A_747 = arith.constant 1 : i32
      %dma_wait3A_748 = arith.constant 0 : i32
      %dma_wait3A_749 = arith.constant 0 : i32
      %dma_wait3A_750 = tpu.memref_slice %arg6[%dma_wait3A_746, %dma_wait3A_748, %dma_wait3A_749] : memref<5x128x64xf32, #tpu.memory_space<vmem>> -> memref<1x128x64xf32, #tpu.memory_space<vmem>>
      %dma_wait3A_751 = tpu.memref_squeeze %dma_wait3A_750 : memref<1x128x64xf32, #tpu.memory_space<vmem>> -> memref<128x64xf32, #tpu.memory_space<vmem>>
      %dma_wait3A_752 = tpu.memref_slice %arg5[%mul3A_745] : memref<6400xi32, #tpu.memory_space<vmem>> -> memref<128xi32, #tpu.memory_space<vmem>>
      %dma_wait3A_753 = arith.constant 0 : i32
      %dma_wait3A_754 = arith.constant 0 : i32
      %dma_wait3A_755 = tpu.memref_slice %arg3[%dma_wait3A_753, %dma_wait3A_754] : memref<1000000x64xf32, #tpu.memory_space<hbm>> -> memref<1000000x64xf32, #tpu.memory_space<hbm>>
      %dma_wait3A_756 = tpu.memref_slice %arg7[%dma_wait3A_747] : memref<5x!tpu.dma_semaphore, #tpu.memory_space<semaphore_mem>> -> memref<1x!tpu.dma_semaphore, #tpu.memory_space<semaphore_mem>>
      %dma_wait3A_757 = tpu.memref_squeeze %dma_wait3A_756 : memref<1x!tpu.dma_semaphore, #tpu.memory_space<semaphore_mem>> -> memref<!tpu.dma_semaphore, #tpu.memory_space<semaphore_mem>>
      tpu.wait_indirect_dma semaphore(%dma_wait3A_757 : memref<!tpu.dma_semaphore, #tpu.memory_space<semaphore_mem>>) src(%dma_wait3A_755 : memref<1000000x64xf32, #tpu.memory_space<hbm>>) dst(%dma_wait3A_751 : memref<128x64xf32, #tpu.memory_space<vmem>>)
      %mul3A_758 = arith.constant 128 : i32
      %mul3A_759 = arith.muli %add3A_704, %mul3A_758 : i32
      %add3A_760 = arith.addi %mul3A_2, %mul3A_759 : i32
      %dma_start3A_761 = arith.constant 1 : i32
      %dma_start3A_762 = arith.constant 1 : i32
      %dma_start3A_763 = arith.constant 0 : i32
      %dma_start3A_764 = arith.constant 0 : i32
      %dma_start3A_765 = tpu.memref_slice %arg6[%dma_start3A_761, %dma_start3A_763, %dma_start3A_764] : memref<5x128x64xf32, #tpu.memory_space<vmem>> -> memref<1x128x64xf32, #tpu.memory_space<vmem>>
      %dma_start3A_766 = tpu.memref_squeeze %dma_start3A_765 : memref<1x128x64xf32, #tpu.memory_space<vmem>> -> memref<128x64xf32, #tpu.memory_space<vmem>>
      %dma_start3A_767 = arith.constant 0 : i32
      %dma_start3A_768 = tpu.memref_slice %arg4[%add3A_760, %dma_start3A_767] : memref<204800x64xf32, #tpu.memory_space<hbm>> -> memref<128x64xf32, #tpu.memory_space<hbm>>
      %dma_start3A_769 = tpu.memref_slice %arg8[%dma_start3A_762] : memref<5x!tpu.dma_semaphore, #tpu.memory_space<semaphore_mem>> -> memref<1x!tpu.dma_semaphore, #tpu.memory_space<semaphore_mem>>
      %dma_start3A_770 = tpu.memref_squeeze %dma_start3A_769 : memref<1x!tpu.dma_semaphore, #tpu.memory_space<semaphore_mem>> -> memref<!tpu.dma_semaphore, #tpu.memory_space<semaphore_mem>>
      %dma_start3A_771 = arith.constant 0 : i32
      %dma_start3A_772 = tpu.memref_slice %arg4[%add3A_760, %dma_start3A_771] : memref<204800x64xf32, #tpu.memory_space<hbm>> -> memref<128x64xf32, #tpu.memory_space<hbm>>
      %dma_start3A_773 = arith.constant 0 : i32
      %dma_start3A_774 = arith.constant 0 : i32
      %dma_start3A_775 = tpu.memref_slice %arg6[%dma_start3A_761, %dma_start3A_773, %dma_start3A_774] : memref<5x128x64xf32, #tpu.memory_space<vmem>> -> memref<1x128x64xf32, #tpu.memory_space<vmem>>
      %dma_start3A_776 = tpu.memref_squeeze %dma_start3A_775 : memref<1x128x64xf32, #tpu.memory_space<vmem>> -> memref<128x64xf32, #tpu.memory_space<vmem>>
      tpu.enqueue_dma source(%dma_start3A_776 : memref<128x64xf32, #tpu.memory_space<vmem>>) target(%dma_start3A_772 : memref<128x64xf32, #tpu.memory_space<hbm>>) target_semaphore(%dma_start3A_770 : memref<!tpu.dma_semaphore, #tpu.memory_space<semaphore_mem>>)
      %mul3A_777 = arith.constant 5 : i32
      %mul3A_778 = arith.muli %scan3A_625, %mul3A_777 : i32
      %add3A_779 = arith.constant 2 : i32
      %add3A_780 = arith.addi %mul3A_778, %add3A_779 : i32
      %add3A_781 = arith.constant 4 : i32
      %add3A_782 = arith.addi %add3A_780, %add3A_781 : i32
      %sub3A_783 = arith.constant 5 : i32
      %sub3A_784 = arith.subi %add3A_782, %sub3A_783 : i32
      %mul3A_785 = arith.constant 128 : i32
      %mul3A_786 = arith.muli %sub3A_784, %mul3A_785 : i32
      %add3A_787 = arith.addi %mul3A_2, %mul3A_786 : i32
      %dma_wait3A_788 = arith.constant 1 : i32
      %dma_wait3A_789 = arith.constant 1 : i32
      %dma_wait3A_790 = arith.constant 0 : i32
      %dma_wait3A_791 = arith.constant 0 : i32
      %dma_wait3A_792 = tpu.memref_slice %arg6[%dma_wait3A_788, %dma_wait3A_790, %dma_wait3A_791] : memref<5x128x64xf32, #tpu.memory_space<vmem>> -> memref<1x128x64xf32, #tpu.memory_space<vmem>>
      %dma_wait3A_793 = tpu.memref_squeeze %dma_wait3A_792 : memref<1x128x64xf32, #tpu.memory_space<vmem>> -> memref<128x64xf32, #tpu.memory_space<vmem>>
      %dma_wait3A_794 = arith.constant 0 : i32
      %dma_wait3A_795 = tpu.memref_slice %arg4[%add3A_787, %dma_wait3A_794] : memref<204800x64xf32, #tpu.memory_space<hbm>> -> memref<128x64xf32, #tpu.memory_space<hbm>>
      %dma_wait3A_796 = tpu.memref_slice %arg8[%dma_wait3A_789] : memref<5x!tpu.dma_semaphore, #tpu.memory_space<semaphore_mem>> -> memref<1x!tpu.dma_semaphore, #tpu.memory_space<semaphore_mem>>
      %dma_wait3A_797 = tpu.memref_squeeze %dma_wait3A_796 : memref<1x!tpu.dma_semaphore, #tpu.memory_space<semaphore_mem>> -> memref<!tpu.dma_semaphore, #tpu.memory_space<semaphore_mem>>
      %dma_wait3A_798 = arith.constant 0 : i32
      %dma_wait3A_799 = tpu.memref_slice %arg4[%add3A_787, %dma_wait3A_798] : memref<204800x64xf32, #tpu.memory_space<hbm>> -> memref<128x64xf32, #tpu.memory_space<hbm>>
      %dma_wait3A_800 = arith.constant 0 : i32
      %dma_wait3A_801 = arith.constant 0 : i32
      %dma_wait3A_802 = tpu.memref_slice %arg6[%dma_wait3A_788, %dma_wait3A_800, %dma_wait3A_801] : memref<5x128x64xf32, #tpu.memory_space<vmem>> -> memref<1x128x64xf32, #tpu.memory_space<vmem>>
      %dma_wait3A_803 = tpu.memref_squeeze %dma_wait3A_802 : memref<1x128x64xf32, #tpu.memory_space<vmem>> -> memref<128x64xf32, #tpu.memory_space<vmem>>
      tpu.wait_dma2 semaphore(%dma_wait3A_797 : memref<!tpu.dma_semaphore, #tpu.memory_space<semaphore_mem>>) src(%dma_wait3A_803 : memref<128x64xf32, #tpu.memory_space<vmem>>) dst(%dma_wait3A_799 : memref<128x64xf32, #tpu.memory_space<hbm>>)
      %add3A_804 = arith.constant 4 : i32
      %add3A_805 = arith.addi %add3A_780, %add3A_804 : i32
      %mul3A_806 = arith.constant 128 : i32
      %mul3A_807 = arith.muli %add3A_805, %mul3A_806 : i32
      %dma_start3A_808 = arith.constant 1 : i32
      %dma_start3A_809 = arith.constant 1 : i32
      %dma_start3A_810 = arith.constant 0 : i32
      %dma_start3A_811 = arith.constant 0 : i32
      %dma_start3A_812 = tpu.memref_slice %arg6[%dma_start3A_808, %dma_start3A_810, %dma_start3A_811] : memref<5x128x64xf32, #tpu.memory_space<vmem>> -> memref<1x128x64xf32, #tpu.memory_space<vmem>>
      %dma_start3A_813 = tpu.memref_squeeze %dma_start3A_812 : memref<1x128x64xf32, #tpu.memory_space<vmem>> -> memref<128x64xf32, #tpu.memory_space<vmem>>
      %dma_start3A_814 = tpu.memref_slice %arg5[%mul3A_807] : memref<6400xi32, #tpu.memory_space<vmem>> -> memref<128xi32, #tpu.memory_space<vmem>>
      %dma_start3A_815 = arith.constant 0 : i32
      %dma_start3A_816 = arith.constant 0 : i32
      %dma_start3A_817 = tpu.memref_slice %arg3[%dma_start3A_815, %dma_start3A_816] : memref<1000000x64xf32, #tpu.memory_space<hbm>> -> memref<1000000x64xf32, #tpu.memory_space<hbm>>
      %dma_start3A_818 = tpu.memref_slice %arg7[%dma_start3A_809] : memref<5x!tpu.dma_semaphore, #tpu.memory_space<semaphore_mem>> -> memref<1x!tpu.dma_semaphore, #tpu.memory_space<semaphore_mem>>
      %dma_start3A_819 = tpu.memref_squeeze %dma_start3A_818 : memref<1x!tpu.dma_semaphore, #tpu.memory_space<semaphore_mem>> -> memref<!tpu.dma_semaphore, #tpu.memory_space<semaphore_mem>>
      tpu.enqueue_indirect_dma source(%dma_start3A_817 : memref<1000000x64xf32, #tpu.memory_space<hbm>>) target(%dma_start3A_813 : memref<128x64xf32, #tpu.memory_space<vmem>>) offsets(%dma_start3A_814 : memref<128xi32, #tpu.memory_space<vmem>>) semaphore(%dma_start3A_819 : memref<!tpu.dma_semaphore, #tpu.memory_space<semaphore_mem>>)
      %mul3A_820 = arith.constant 128 : i32
      %mul3A_821 = arith.muli %add3A_780, %mul3A_820 : i32
      %dma_wait3A_822 = arith.constant 2 : i32
      %dma_wait3A_823 = arith.constant 2 : i32
      %dma_wait3A_824 = arith.constant 0 : i32
      %dma_wait3A_825 = arith.constant 0 : i32
      %dma_wait3A_826 = tpu.memref_slice %arg6[%dma_wait3A_822, %dma_wait3A_824, %dma_wait3A_825] : memref<5x128x64xf32, #tpu.memory_space<vmem>> -> memref<1x128x64xf32, #tpu.memory_space<vmem>>
      %dma_wait3A_827 = tpu.memref_squeeze %dma_wait3A_826 : memref<1x128x64xf32, #tpu.memory_space<vmem>> -> memref<128x64xf32, #tpu.memory_space<vmem>>
      %dma_wait3A_828 = tpu.memref_slice %arg5[%mul3A_821] : memref<6400xi32, #tpu.memory_space<vmem>> -> memref<128xi32, #tpu.memory_space<vmem>>
      %dma_wait3A_829 = arith.constant 0 : i32
      %dma_wait3A_830 = arith.constant 0 : i32
      %dma_wait3A_831 = tpu.memref_slice %arg3[%dma_wait3A_829, %dma_wait3A_830] : memref<1000000x64xf32, #tpu.memory_space<hbm>> -> memref<1000000x64xf32, #tpu.memory_space<hbm>>
      %dma_wait3A_832 = tpu.memref_slice %arg7[%dma_wait3A_823] : memref<5x!tpu.dma_semaphore, #tpu.memory_space<semaphore_mem>> -> memref<1x!tpu.dma_semaphore, #tpu.memory_space<semaphore_mem>>
      %dma_wait3A_833 = tpu.memref_squeeze %dma_wait3A_832 : memref<1x!tpu.dma_semaphore, #tpu.memory_space<semaphore_mem>> -> memref<!tpu.dma_semaphore, #tpu.memory_space<semaphore_mem>>
      tpu.wait_indirect_dma semaphore(%dma_wait3A_833 : memref<!tpu.dma_semaphore, #tpu.memory_space<semaphore_mem>>) src(%dma_wait3A_831 : memref<1000000x64xf32, #tpu.memory_space<hbm>>) dst(%dma_wait3A_827 : memref<128x64xf32, #tpu.memory_space<vmem>>)
      %mul3A_834 = arith.constant 128 : i32
      %mul3A_835 = arith.muli %add3A_780, %mul3A_834 : i32
      %add3A_836 = arith.addi %mul3A_2, %mul3A_835 : i32
      %dma_start3A_837 = arith.constant 2 : i32
      %dma_start3A_838 = arith.constant 2 : i32
      %dma_start3A_839 = arith.constant 0 : i32
      %dma_start3A_840 = arith.constant 0 : i32
      %dma_start3A_841 = tpu.memref_slice %arg6[%dma_start3A_837, %dma_start3A_839, %dma_start3A_840] : memref<5x128x64xf32, #tpu.memory_space<vmem>> -> memref<1x128x64xf32, #tpu.memory_space<vmem>>
      %dma_start3A_842 = tpu.memref_squeeze %dma_start3A_841 : memref<1x128x64xf32, #tpu.memory_space<vmem>> -> memref<128x64xf32, #tpu.memory_space<vmem>>
      %dma_start3A_843 = arith.constant 0 : i32
      %dma_start3A_844 = tpu.memref_slice %arg4[%add3A_836, %dma_start3A_843] : memref<204800x64xf32, #tpu.memory_space<hbm>> -> memref<128x64xf32, #tpu.memory_space<hbm>>
      %dma_start3A_845 = tpu.memref_slice %arg8[%dma_start3A_838] : memref<5x!tpu.dma_semaphore, #tpu.memory_space<semaphore_mem>> -> memref<1x!tpu.dma_semaphore, #tpu.memory_space<semaphore_mem>>
      %dma_start3A_846 = tpu.memref_squeeze %dma_start3A_845 : memref<1x!tpu.dma_semaphore, #tpu.memory_space<semaphore_mem>> -> memref<!tpu.dma_semaphore, #tpu.memory_space<semaphore_mem>>
      %dma_start3A_847 = arith.constant 0 : i32
      %dma_start3A_848 = tpu.memref_slice %arg4[%add3A_836, %dma_start3A_847] : memref<204800x64xf32, #tpu.memory_space<hbm>> -> memref<128x64xf32, #tpu.memory_space<hbm>>
      %dma_start3A_849 = arith.constant 0 : i32
      %dma_start3A_850 = arith.constant 0 : i32
      %dma_start3A_851 = tpu.memref_slice %arg6[%dma_start3A_837, %dma_start3A_849, %dma_start3A_850] : memref<5x128x64xf32, #tpu.memory_space<vmem>> -> memref<1x128x64xf32, #tpu.memory_space<vmem>>
      %dma_start3A_852 = tpu.memref_squeeze %dma_start3A_851 : memref<1x128x64xf32, #tpu.memory_space<vmem>> -> memref<128x64xf32, #tpu.memory_space<vmem>>
      tpu.enqueue_dma source(%dma_start3A_852 : memref<128x64xf32, #tpu.memory_space<vmem>>) target(%dma_start3A_848 : memref<128x64xf32, #tpu.memory_space<hbm>>) target_semaphore(%dma_start3A_846 : memref<!tpu.dma_semaphore, #tpu.memory_space<semaphore_mem>>)
      %mul3A_853 = arith.constant 5 : i32
      %mul3A_854 = arith.muli %scan3A_625, %mul3A_853 : i32
      %add3A_855 = arith.constant 3 : i32
      %add3A_856 = arith.addi %mul3A_854, %add3A_855 : i32
      %add3A_857 = arith.constant 4 : i32
      %add3A_858 = arith.addi %add3A_856, %add3A_857 : i32
      %sub3A_859 = arith.constant 5 : i32
      %sub3A_860 = arith.subi %add3A_858, %sub3A_859 : i32
      %mul3A_861 = arith.constant 128 : i32
      %mul3A_862 = arith.muli %sub3A_860, %mul3A_861 : i32
      %add3A_863 = arith.addi %mul3A_2, %mul3A_862 : i32
      %dma_wait3A_864 = arith.constant 2 : i32
      %dma_wait3A_865 = arith.constant 2 : i32
      %dma_wait3A_866 = arith.constant 0 : i32
      %dma_wait3A_867 = arith.constant 0 : i32
      %dma_wait3A_868 = tpu.memref_slice %arg6[%dma_wait3A_864, %dma_wait3A_866, %dma_wait3A_867] : memref<5x128x64xf32, #tpu.memory_space<vmem>> -> memref<1x128x64xf32, #tpu.memory_space<vmem>>
      %dma_wait3A_869 = tpu.memref_squeeze %dma_wait3A_868 : memref<1x128x64xf32, #tpu.memory_space<vmem>> -> memref<128x64xf32, #tpu.memory_space<vmem>>
      %dma_wait3A_870 = arith.constant 0 : i32
      %dma_wait3A_871 = tpu.memref_slice %arg4[%add3A_863, %dma_wait3A_870] : memref<204800x64xf32, #tpu.memory_space<hbm>> -> memref<128x64xf32, #tpu.memory_space<hbm>>
      %dma_wait3A_872 = tpu.memref_slice %arg8[%dma_wait3A_865] : memref<5x!tpu.dma_semaphore, #tpu.memory_space<semaphore_mem>> -> memref<1x!tpu.dma_semaphore, #tpu.memory_space<semaphore_mem>>
      %dma_wait3A_873 = tpu.memref_squeeze %dma_wait3A_872 : memref<1x!tpu.dma_semaphore, #tpu.memory_space<semaphore_mem>> -> memref<!tpu.dma_semaphore, #tpu.memory_space<semaphore_mem>>
      %dma_wait3A_874 = arith.constant 0 : i32
      %dma_wait3A_875 = tpu.memref_slice %arg4[%add3A_863, %dma_wait3A_874] : memref<204800x64xf32, #tpu.memory_space<hbm>> -> memref<128x64xf32, #tpu.memory_space<hbm>>
      %dma_wait3A_876 = arith.constant 0 : i32
      %dma_wait3A_877 = arith.constant 0 : i32
      %dma_wait3A_878 = tpu.memref_slice %arg6[%dma_wait3A_864, %dma_wait3A_876, %dma_wait3A_877] : memref<5x128x64xf32, #tpu.memory_space<vmem>> -> memref<1x128x64xf32, #tpu.memory_space<vmem>>
      %dma_wait3A_879 = tpu.memref_squeeze %dma_wait3A_878 : memref<1x128x64xf32, #tpu.memory_space<vmem>> -> memref<128x64xf32, #tpu.memory_space<vmem>>
      tpu.wait_dma2 semaphore(%dma_wait3A_873 : memref<!tpu.dma_semaphore, #tpu.memory_space<semaphore_mem>>) src(%dma_wait3A_879 : memref<128x64xf32, #tpu.memory_space<vmem>>) dst(%dma_wait3A_875 : memref<128x64xf32, #tpu.memory_space<hbm>>)
      %add3A_880 = arith.constant 4 : i32
      %add3A_881 = arith.addi %add3A_856, %add3A_880 : i32
      %mul3A_882 = arith.constant 128 : i32
      %mul3A_883 = arith.muli %add3A_881, %mul3A_882 : i32
      %dma_start3A_884 = arith.constant 2 : i32
      %dma_start3A_885 = arith.constant 2 : i32
      %dma_start3A_886 = arith.constant 0 : i32
      %dma_start3A_887 = arith.constant 0 : i32
      %dma_start3A_888 = tpu.memref_slice %arg6[%dma_start3A_884, %dma_start3A_886, %dma_start3A_887] : memref<5x128x64xf32, #tpu.memory_space<vmem>> -> memref<1x128x64xf32, #tpu.memory_space<vmem>>
      %dma_start3A_889 = tpu.memref_squeeze %dma_start3A_888 : memref<1x128x64xf32, #tpu.memory_space<vmem>> -> memref<128x64xf32, #tpu.memory_space<vmem>>
      %dma_start3A_890 = tpu.memref_slice %arg5[%mul3A_883] : memref<6400xi32, #tpu.memory_space<vmem>> -> memref<128xi32, #tpu.memory_space<vmem>>
      %dma_start3A_891 = arith.constant 0 : i32
      %dma_start3A_892 = arith.constant 0 : i32
      %dma_start3A_893 = tpu.memref_slice %arg3[%dma_start3A_891, %dma_start3A_892] : memref<1000000x64xf32, #tpu.memory_space<hbm>> -> memref<1000000x64xf32, #tpu.memory_space<hbm>>
      %dma_start3A_894 = tpu.memref_slice %arg7[%dma_start3A_885] : memref<5x!tpu.dma_semaphore, #tpu.memory_space<semaphore_mem>> -> memref<1x!tpu.dma_semaphore, #tpu.memory_space<semaphore_mem>>
      %dma_start3A_895 = tpu.memref_squeeze %dma_start3A_894 : memref<1x!tpu.dma_semaphore, #tpu.memory_space<semaphore_mem>> -> memref<!tpu.dma_semaphore, #tpu.memory_space<semaphore_mem>>
      tpu.enqueue_indirect_dma source(%dma_start3A_893 : memref<1000000x64xf32, #tpu.memory_space<hbm>>) target(%dma_start3A_889 : memref<128x64xf32, #tpu.memory_space<vmem>>) offsets(%dma_start3A_890 : memref<128xi32, #tpu.memory_space<vmem>>) semaphore(%dma_start3A_895 : memref<!tpu.dma_semaphore, #tpu.memory_space<semaphore_mem>>)
      %mul3A_896 = arith.constant 128 : i32
      %mul3A_897 = arith.muli %add3A_856, %mul3A_896 : i32
      %dma_wait3A_898 = arith.constant 3 : i32
      %dma_wait3A_899 = arith.constant 3 : i32
      %dma_wait3A_900 = arith.constant 0 : i32
      %dma_wait3A_901 = arith.constant 0 : i32
      %dma_wait3A_902 = tpu.memref_slice %arg6[%dma_wait3A_898, %dma_wait3A_900, %dma_wait3A_901] : memref<5x128x64xf32, #tpu.memory_space<vmem>> -> memref<1x128x64xf32, #tpu.memory_space<vmem>>
      %dma_wait3A_903 = tpu.memref_squeeze %dma_wait3A_902 : memref<1x128x64xf32, #tpu.memory_space<vmem>> -> memref<128x64xf32, #tpu.memory_space<vmem>>
      %dma_wait3A_904 = tpu.memref_slice %arg5[%mul3A_897] : memref<6400xi32, #tpu.memory_space<vmem>> -> memref<128xi32, #tpu.memory_space<vmem>>
      %dma_wait3A_905 = arith.constant 0 : i32
      %dma_wait3A_906 = arith.constant 0 : i32
      %dma_wait3A_907 = tpu.memref_slice %arg3[%dma_wait3A_905, %dma_wait3A_906] : memref<1000000x64xf32, #tpu.memory_space<hbm>> -> memref<1000000x64xf32, #tpu.memory_space<hbm>>
      %dma_wait3A_908 = tpu.memref_slice %arg7[%dma_wait3A_899] : memref<5x!tpu.dma_semaphore, #tpu.memory_space<semaphore_mem>> -> memref<1x!tpu.dma_semaphore, #tpu.memory_space<semaphore_mem>>
      %dma_wait3A_909 = tpu.memref_squeeze %dma_wait3A_908 : memref<1x!tpu.dma_semaphore, #tpu.memory_space<semaphore_mem>> -> memref<!tpu.dma_semaphore, #tpu.memory_space<semaphore_mem>>
      tpu.wait_indirect_dma semaphore(%dma_wait3A_909 : memref<!tpu.dma_semaphore, #tpu.memory_space<semaphore_mem>>) src(%dma_wait3A_907 : memref<1000000x64xf32, #tpu.memory_space<hbm>>) dst(%dma_wait3A_903 : memref<128x64xf32, #tpu.memory_space<vmem>>)
      %mul3A_910 = arith.constant 128 : i32
      %mul3A_911 = arith.muli %add3A_856, %mul3A_910 : i32
      %add3A_912 = arith.addi %mul3A_2, %mul3A_911 : i32
      %dma_start3A_913 = arith.constant 3 : i32
      %dma_start3A_914 = arith.constant 3 : i32
      %dma_start3A_915 = arith.constant 0 : i32
      %dma_start3A_916 = arith.constant 0 : i32
      %dma_start3A_917 = tpu.memref_slice %arg6[%dma_start3A_913, %dma_start3A_915, %dma_start3A_916] : memref<5x128x64xf32, #tpu.memory_space<vmem>> -> memref<1x128x64xf32, #tpu.memory_space<vmem>>
      %dma_start3A_918 = tpu.memref_squeeze %dma_start3A_917 : memref<1x128x64xf32, #tpu.memory_space<vmem>> -> memref<128x64xf32, #tpu.memory_space<vmem>>
      %dma_start3A_919 = arith.constant 0 : i32
      %dma_start3A_920 = tpu.memref_slice %arg4[%add3A_912, %dma_start3A_919] : memref<204800x64xf32, #tpu.memory_space<hbm>> -> memref<128x64xf32, #tpu.memory_space<hbm>>
      %dma_start3A_921 = tpu.memref_slice %arg8[%dma_start3A_914] : memref<5x!tpu.dma_semaphore, #tpu.memory_space<semaphore_mem>> -> memref<1x!tpu.dma_semaphore, #tpu.memory_space<semaphore_mem>>
      %dma_start3A_922 = tpu.memref_squeeze %dma_start3A_921 : memref<1x!tpu.dma_semaphore, #tpu.memory_space<semaphore_mem>> -> memref<!tpu.dma_semaphore, #tpu.memory_space<semaphore_mem>>
      %dma_start3A_923 = arith.constant 0 : i32
      %dma_start3A_924 = tpu.memref_slice %arg4[%add3A_912, %dma_start3A_923] : memref<204800x64xf32, #tpu.memory_space<hbm>> -> memref<128x64xf32, #tpu.memory_space<hbm>>
      %dma_start3A_925 = arith.constant 0 : i32
      %dma_start3A_926 = arith.constant 0 : i32
      %dma_start3A_927 = tpu.memref_slice %arg6[%dma_start3A_913, %dma_start3A_925, %dma_start3A_926] : memref<5x128x64xf32, #tpu.memory_space<vmem>> -> memref<1x128x64xf32, #tpu.memory_space<vmem>>
      %dma_start3A_928 = tpu.memref_squeeze %dma_start3A_927 : memref<1x128x64xf32, #tpu.memory_space<vmem>> -> memref<128x64xf32, #tpu.memory_space<vmem>>
      tpu.enqueue_dma source(%dma_start3A_928 : memref<128x64xf32, #tpu.memory_space<vmem>>) target(%dma_start3A_924 : memref<128x64xf32, #tpu.memory_space<hbm>>) target_semaphore(%dma_start3A_922 : memref<!tpu.dma_semaphore, #tpu.memory_space<semaphore_mem>>)
      %mul3A_929 = arith.constant 5 : i32
      %mul3A_930 = arith.muli %scan3A_625, %mul3A_929 : i32
      %add3A_931 = arith.constant 4 : i32
      %add3A_932 = arith.addi %mul3A_930, %add3A_931 : i32
      %add3A_933 = arith.constant 4 : i32
      %add3A_934 = arith.addi %add3A_932, %add3A_933 : i32
      %sub3A_935 = arith.constant 5 : i32
      %sub3A_936 = arith.subi %add3A_934, %sub3A_935 : i32
      %mul3A_937 = arith.constant 128 : i32
      %mul3A_938 = arith.muli %sub3A_936, %mul3A_937 : i32
      %add3A_939 = arith.addi %mul3A_2, %mul3A_938 : i32
      %dma_wait3A_940 = arith.constant 3 : i32
      %dma_wait3A_941 = arith.constant 3 : i32
      %dma_wait3A_942 = arith.constant 0 : i32
      %dma_wait3A_943 = arith.constant 0 : i32
      %dma_wait3A_944 = tpu.memref_slice %arg6[%dma_wait3A_940, %dma_wait3A_942, %dma_wait3A_943] : memref<5x128x64xf32, #tpu.memory_space<vmem>> -> memref<1x128x64xf32, #tpu.memory_space<vmem>>
      %dma_wait3A_945 = tpu.memref_squeeze %dma_wait3A_944 : memref<1x128x64xf32, #tpu.memory_space<vmem>> -> memref<128x64xf32, #tpu.memory_space<vmem>>
      %dma_wait3A_946 = arith.constant 0 : i32
      %dma_wait3A_947 = tpu.memref_slice %arg4[%add3A_939, %dma_wait3A_946] : memref<204800x64xf32, #tpu.memory_space<hbm>> -> memref<128x64xf32, #tpu.memory_space<hbm>>
      %dma_wait3A_948 = tpu.memref_slice %arg8[%dma_wait3A_941] : memref<5x!tpu.dma_semaphore, #tpu.memory_space<semaphore_mem>> -> memref<1x!tpu.dma_semaphore, #tpu.memory_space<semaphore_mem>>
      %dma_wait3A_949 = tpu.memref_squeeze %dma_wait3A_948 : memref<1x!tpu.dma_semaphore, #tpu.memory_space<semaphore_mem>> -> memref<!tpu.dma_semaphore, #tpu.memory_space<semaphore_mem>>
      %dma_wait3A_950 = arith.constant 0 : i32
      %dma_wait3A_951 = tpu.memref_slice %arg4[%add3A_939, %dma_wait3A_950] : memref<204800x64xf32, #tpu.memory_space<hbm>> -> memref<128x64xf32, #tpu.memory_space<hbm>>
      %dma_wait3A_952 = arith.constant 0 : i32
      %dma_wait3A_953 = arith.constant 0 : i32
      %dma_wait3A_954 = tpu.memref_slice %arg6[%dma_wait3A_940, %dma_wait3A_952, %dma_wait3A_953] : memref<5x128x64xf32, #tpu.memory_space<vmem>> -> memref<1x128x64xf32, #tpu.memory_space<vmem>>
      %dma_wait3A_955 = tpu.memref_squeeze %dma_wait3A_954 : memref<1x128x64xf32, #tpu.memory_space<vmem>> -> memref<128x64xf32, #tpu.memory_space<vmem>>
      tpu.wait_dma2 semaphore(%dma_wait3A_949 : memref<!tpu.dma_semaphore, #tpu.memory_space<semaphore_mem>>) src(%dma_wait3A_955 : memref<128x64xf32, #tpu.memory_space<vmem>>) dst(%dma_wait3A_951 : memref<128x64xf32, #tpu.memory_space<hbm>>)
      %add3A_956 = arith.constant 4 : i32
      %add3A_957 = arith.addi %add3A_932, %add3A_956 : i32
      %mul3A_958 = arith.constant 128 : i32
      %mul3A_959 = arith.muli %add3A_957, %mul3A_958 : i32
      %dma_start3A_960 = arith.constant 3 : i32
      %dma_start3A_961 = arith.constant 3 : i32
      %dma_start3A_962 = arith.constant 0 : i32
      %dma_start3A_963 = arith.constant 0 : i32
      %dma_start3A_964 = tpu.memref_slice %arg6[%dma_start3A_960, %dma_start3A_962, %dma_start3A_963] : memref<5x128x64xf32, #tpu.memory_space<vmem>> -> memref<1x128x64xf32, #tpu.memory_space<vmem>>
      %dma_start3A_965 = tpu.memref_squeeze %dma_start3A_964 : memref<1x128x64xf32, #tpu.memory_space<vmem>> -> memref<128x64xf32, #tpu.memory_space<vmem>>
      %dma_start3A_966 = tpu.memref_slice %arg5[%mul3A_959] : memref<6400xi32, #tpu.memory_space<vmem>> -> memref<128xi32, #tpu.memory_space<vmem>>
      %dma_start3A_967 = arith.constant 0 : i32
      %dma_start3A_968 = arith.constant 0 : i32
      %dma_start3A_969 = tpu.memref_slice %arg3[%dma_start3A_967, %dma_start3A_968] : memref<1000000x64xf32, #tpu.memory_space<hbm>> -> memref<1000000x64xf32, #tpu.memory_space<hbm>>
      %dma_start3A_970 = tpu.memref_slice %arg7[%dma_start3A_961] : memref<5x!tpu.dma_semaphore, #tpu.memory_space<semaphore_mem>> -> memref<1x!tpu.dma_semaphore, #tpu.memory_space<semaphore_mem>>
      %dma_start3A_971 = tpu.memref_squeeze %dma_start3A_970 : memref<1x!tpu.dma_semaphore, #tpu.memory_space<semaphore_mem>> -> memref<!tpu.dma_semaphore, #tpu.memory_space<semaphore_mem>>
      tpu.enqueue_indirect_dma source(%dma_start3A_969 : memref<1000000x64xf32, #tpu.memory_space<hbm>>) target(%dma_start3A_965 : memref<128x64xf32, #tpu.memory_space<vmem>>) offsets(%dma_start3A_966 : memref<128xi32, #tpu.memory_space<vmem>>) semaphore(%dma_start3A_971 : memref<!tpu.dma_semaphore, #tpu.memory_space<semaphore_mem>>)
      %mul3A_972 = arith.constant 128 : i32
      %mul3A_973 = arith.muli %add3A_932, %mul3A_972 : i32
      %dma_wait3A_974 = arith.constant 4 : i32
      %dma_wait3A_975 = arith.constant 4 : i32
      %dma_wait3A_976 = arith.constant 0 : i32
      %dma_wait3A_977 = arith.constant 0 : i32
      %dma_wait3A_978 = tpu.memref_slice %arg6[%dma_wait3A_974, %dma_wait3A_976, %dma_wait3A_977] : memref<5x128x64xf32, #tpu.memory_space<vmem>> -> memref<1x128x64xf32, #tpu.memory_space<vmem>>
      %dma_wait3A_979 = tpu.memref_squeeze %dma_wait3A_978 : memref<1x128x64xf32, #tpu.memory_space<vmem>> -> memref<128x64xf32, #tpu.memory_space<vmem>>
      %dma_wait3A_980 = tpu.memref_slice %arg5[%mul3A_973] : memref<6400xi32, #tpu.memory_space<vmem>> -> memref<128xi32, #tpu.memory_space<vmem>>
      %dma_wait3A_981 = arith.constant 0 : i32
      %dma_wait3A_982 = arith.constant 0 : i32
      %dma_wait3A_983 = tpu.memref_slice %arg3[%dma_wait3A_981, %dma_wait3A_982] : memref<1000000x64xf32, #tpu.memory_space<hbm>> -> memref<1000000x64xf32, #tpu.memory_space<hbm>>
      %dma_wait3A_984 = tpu.memref_slice %arg7[%dma_wait3A_975] : memref<5x!tpu.dma_semaphore, #tpu.memory_space<semaphore_mem>> -> memref<1x!tpu.dma_semaphore, #tpu.memory_space<semaphore_mem>>
      %dma_wait3A_985 = tpu.memref_squeeze %dma_wait3A_984 : memref<1x!tpu.dma_semaphore, #tpu.memory_space<semaphore_mem>> -> memref<!tpu.dma_semaphore, #tpu.memory_space<semaphore_mem>>
      tpu.wait_indirect_dma semaphore(%dma_wait3A_985 : memref<!tpu.dma_semaphore, #tpu.memory_space<semaphore_mem>>) src(%dma_wait3A_983 : memref<1000000x64xf32, #tpu.memory_space<hbm>>) dst(%dma_wait3A_979 : memref<128x64xf32, #tpu.memory_space<vmem>>)
      %mul3A_986 = arith.constant 128 : i32
      %mul3A_987 = arith.muli %add3A_932, %mul3A_986 : i32
      %add3A_988 = arith.addi %mul3A_2, %mul3A_987 : i32
      %dma_start3A_989 = arith.constant 4 : i32
      %dma_start3A_990 = arith.constant 4 : i32
      %dma_start3A_991 = arith.constant 0 : i32
      %dma_start3A_992 = arith.constant 0 : i32
      %dma_start3A_993 = tpu.memref_slice %arg6[%dma_start3A_989, %dma_start3A_991, %dma_start3A_992] : memref<5x128x64xf32, #tpu.memory_space<vmem>> -> memref<1x128x64xf32, #tpu.memory_space<vmem>>
      %dma_start3A_994 = tpu.memref_squeeze %dma_start3A_993 : memref<1x128x64xf32, #tpu.memory_space<vmem>> -> memref<128x64xf32, #tpu.memory_space<vmem>>
      %dma_start3A_995 = arith.constant 0 : i32
      %dma_start3A_996 = tpu.memref_slice %arg4[%add3A_988, %dma_start3A_995] : memref<204800x64xf32, #tpu.memory_space<hbm>> -> memref<128x64xf32, #tpu.memory_space<hbm>>
      %dma_start3A_997 = tpu.memref_slice %arg8[%dma_start3A_990] : memref<5x!tpu.dma_semaphore, #tpu.memory_space<semaphore_mem>> -> memref<1x!tpu.dma_semaphore, #tpu.memory_space<semaphore_mem>>
      %dma_start3A_998 = tpu.memref_squeeze %dma_start3A_997 : memref<1x!tpu.dma_semaphore, #tpu.memory_space<semaphore_mem>> -> memref<!tpu.dma_semaphore, #tpu.memory_space<semaphore_mem>>
      %dma_start3A_999 = arith.constant 0 : i32
      %dma_start3A_1000 = tpu.memref_slice %arg4[%add3A_988, %dma_start3A_999] : memref<204800x64xf32, #tpu.memory_space<hbm>> -> memref<128x64xf32, #tpu.memory_space<hbm>>
      %dma_start3A_1001 = arith.constant 0 : i32
      %dma_start3A_1002 = arith.constant 0 : i32
      %dma_start3A_1003 = tpu.memref_slice %arg6[%dma_start3A_989, %dma_start3A_1001, %dma_start3A_1002] : memref<5x128x64xf32, #tpu.memory_space<vmem>> -> memref<1x128x64xf32, #tpu.memory_space<vmem>>
      %dma_start3A_1004 = tpu.memref_squeeze %dma_start3A_1003 : memref<1x128x64xf32, #tpu.memory_space<vmem>> -> memref<128x64xf32, #tpu.memory_space<vmem>>
      tpu.enqueue_dma source(%dma_start3A_1004 : memref<128x64xf32, #tpu.memory_space<vmem>>) target(%dma_start3A_1000 : memref<128x64xf32, #tpu.memory_space<hbm>>) target_semaphore(%dma_start3A_998 : memref<!tpu.dma_semaphore, #tpu.memory_space<semaphore_mem>>)
    }
    %scan3A_348 = arith.constant 8 : i32
    %add3A_349 = arith.constant 5632 : i32
    %add3A_350 = arith.addi %mul3A_2, %add3A_349 : i32
    %dma_wait3A_351 = arith.constant 4 : i32
    %dma_wait3A_352 = arith.constant 4 : i32
    %dma_wait3A_353 = arith.constant 0 : i32
    %dma_wait3A_354 = arith.constant 0 : i32
    %dma_wait3A_355 = tpu.memref_slice %arg6[%dma_wait3A_351, %dma_wait3A_353, %dma_wait3A_354] : memref<5x128x64xf32, #tpu.memory_space<vmem>> -> memref<1x128x64xf32, #tpu.memory_space<vmem>>
    %dma_wait3A_356 = tpu.memref_squeeze %dma_wait3A_355 : memref<1x128x64xf32, #tpu.memory_space<vmem>> -> memref<128x64xf32, #tpu.memory_space<vmem>>
    %dma_wait3A_357 = arith.constant 0 : i32
    %dma_wait3A_358 = tpu.memref_slice %arg4[%add3A_350, %dma_wait3A_357] : memref<204800x64xf32, #tpu.memory_space<hbm>> -> memref<128x64xf32, #tpu.memory_space<hbm>>
    %dma_wait3A_359 = tpu.memref_slice %arg8[%dma_wait3A_352] : memref<5x!tpu.dma_semaphore, #tpu.memory_space<semaphore_mem>> -> memref<1x!tpu.dma_semaphore, #tpu.memory_space<semaphore_mem>>
    %dma_wait3A_360 = tpu.memref_squeeze %dma_wait3A_359 : memref<1x!tpu.dma_semaphore, #tpu.memory_space<semaphore_mem>> -> memref<!tpu.dma_semaphore, #tpu.memory_space<semaphore_mem>>
    %dma_wait3A_361 = arith.constant 0 : i32
    %dma_wait3A_362 = tpu.memref_slice %arg4[%add3A_350, %dma_wait3A_361] : memref<204800x64xf32, #tpu.memory_space<hbm>> -> memref<128x64xf32, #tpu.memory_space<hbm>>
    %dma_wait3A_363 = arith.constant 0 : i32
    %dma_wait3A_364 = arith.constant 0 : i32
    %dma_wait3A_365 = tpu.memref_slice %arg6[%dma_wait3A_351, %dma_wait3A_363, %dma_wait3A_364] : memref<5x128x64xf32, #tpu.memory_space<vmem>> -> memref<1x128x64xf32, #tpu.memory_space<vmem>>
    %dma_wait3A_366 = tpu.memref_squeeze %dma_wait3A_365 : memref<1x128x64xf32, #tpu.memory_space<vmem>> -> memref<128x64xf32, #tpu.memory_space<vmem>>
    tpu.wait_dma2 semaphore(%dma_wait3A_360 : memref<!tpu.dma_semaphore, #tpu.memory_space<semaphore_mem>>) src(%dma_wait3A_366 : memref<128x64xf32, #tpu.memory_space<vmem>>) dst(%dma_wait3A_362 : memref<128x64xf32, #tpu.memory_space<hbm>>)
    %dma_start3A_367 = arith.constant 4 : i32
    %dma_start3A_368 = arith.constant 4 : i32
    %dma_start3A_369 = arith.constant 0 : i32
    %dma_start3A_370 = arith.constant 0 : i32
    %dma_start3A_371 = tpu.memref_slice %arg6[%dma_start3A_367, %dma_start3A_369, %dma_start3A_370] : memref<5x128x64xf32, #tpu.memory_space<vmem>> -> memref<1x128x64xf32, #tpu.memory_space<vmem>>
    %dma_start3A_372 = tpu.memref_squeeze %dma_start3A_371 : memref<1x128x64xf32, #tpu.memory_space<vmem>> -> memref<128x64xf32, #tpu.memory_space<vmem>>
    %dma_start3A_373 = arith.constant 6272 : i32
    %dma_start3A_374 = tpu.memref_slice %arg5[%dma_start3A_373] : memref<6400xi32, #tpu.memory_space<vmem>> -> memref<128xi32, #tpu.memory_space<vmem>>
    %dma_start3A_375 = arith.constant 0 : i32
    %dma_start3A_376 = arith.constant 0 : i32
    %dma_start3A_377 = tpu.memref_slice %arg3[%dma_start3A_375, %dma_start3A_376] : memref<1000000x64xf32, #tpu.memory_space<hbm>> -> memref<1000000x64xf32, #tpu.memory_space<hbm>>
    %dma_start3A_378 = tpu.memref_slice %arg7[%dma_start3A_368] : memref<5x!tpu.dma_semaphore, #tpu.memory_space<semaphore_mem>> -> memref<1x!tpu.dma_semaphore, #tpu.memory_space<semaphore_mem>>
    %dma_start3A_379 = tpu.memref_squeeze %dma_start3A_378 : memref<1x!tpu.dma_semaphore, #tpu.memory_space<semaphore_mem>> -> memref<!tpu.dma_semaphore, #tpu.memory_space<semaphore_mem>>
    tpu.enqueue_indirect_dma source(%dma_start3A_377 : memref<1000000x64xf32, #tpu.memory_space<hbm>>) target(%dma_start3A_372 : memref<128x64xf32, #tpu.memory_space<vmem>>) offsets(%dma_start3A_374 : memref<128xi32, #tpu.memory_space<vmem>>) semaphore(%dma_start3A_379 : memref<!tpu.dma_semaphore, #tpu.memory_space<semaphore_mem>>)
    %dma_wait3A_380 = arith.constant 0 : i32
    %dma_wait3A_381 = arith.constant 0 : i32
    %dma_wait3A_382 = arith.constant 0 : i32
    %dma_wait3A_383 = arith.constant 0 : i32
    %dma_wait3A_384 = tpu.memref_slice %arg6[%dma_wait3A_380, %dma_wait3A_382, %dma_wait3A_383] : memref<5x128x64xf32, #tpu.memory_space<vmem>> -> memref<1x128x64xf32, #tpu.memory_space<vmem>>
    %dma_wait3A_385 = tpu.memref_squeeze %dma_wait3A_384 : memref<1x128x64xf32, #tpu.memory_space<vmem>> -> memref<128x64xf32, #tpu.memory_space<vmem>>
    %dma_wait3A_386 = arith.constant 5760 : i32
    %dma_wait3A_387 = tpu.memref_slice %arg5[%dma_wait3A_386] : memref<6400xi32, #tpu.memory_space<vmem>> -> memref<128xi32, #tpu.memory_space<vmem>>
    %dma_wait3A_388 = arith.constant 0 : i32
    %dma_wait3A_389 = arith.constant 0 : i32
    %dma_wait3A_390 = tpu.memref_slice %arg3[%dma_wait3A_388, %dma_wait3A_389] : memref<1000000x64xf32, #tpu.memory_space<hbm>> -> memref<1000000x64xf32, #tpu.memory_space<hbm>>
    %dma_wait3A_391 = tpu.memref_slice %arg7[%dma_wait3A_381] : memref<5x!tpu.dma_semaphore, #tpu.memory_space<semaphore_mem>> -> memref<1x!tpu.dma_semaphore, #tpu.memory_space<semaphore_mem>>
    %dma_wait3A_392 = tpu.memref_squeeze %dma_wait3A_391 : memref<1x!tpu.dma_semaphore, #tpu.memory_space<semaphore_mem>> -> memref<!tpu.dma_semaphore, #tpu.memory_space<semaphore_mem>>
    tpu.wait_indirect_dma semaphore(%dma_wait3A_392 : memref<!tpu.dma_semaphore, #tpu.memory_space<semaphore_mem>>) src(%dma_wait3A_390 : memref<1000000x64xf32, #tpu.memory_space<hbm>>) dst(%dma_wait3A_385 : memref<128x64xf32, #tpu.memory_space<vmem>>)
    %add3A_393 = arith.constant 5760 : i32
    %add3A_394 = arith.addi %mul3A_2, %add3A_393 : i32
    %dma_start3A_395 = arith.constant 0 : i32
    %dma_start3A_396 = arith.constant 0 : i32
    %dma_start3A_397 = arith.constant 0 : i32
    %dma_start3A_398 = arith.constant 0 : i32
    %dma_start3A_399 = tpu.memref_slice %arg6[%dma_start3A_395, %dma_start3A_397, %dma_start3A_398] : memref<5x128x64xf32, #tpu.memory_space<vmem>> -> memref<1x128x64xf32, #tpu.memory_space<vmem>>
    %dma_start3A_400 = tpu.memref_squeeze %dma_start3A_399 : memref<1x128x64xf32, #tpu.memory_space<vmem>> -> memref<128x64xf32, #tpu.memory_space<vmem>>
    %dma_start3A_401 = arith.constant 0 : i32
    %dma_start3A_402 = tpu.memref_slice %arg4[%add3A_394, %dma_start3A_401] : memref<204800x64xf32, #tpu.memory_space<hbm>> -> memref<128x64xf32, #tpu.memory_space<hbm>>
    %dma_start3A_403 = tpu.memref_slice %arg8[%dma_start3A_396] : memref<5x!tpu.dma_semaphore, #tpu.memory_space<semaphore_mem>> -> memref<1x!tpu.dma_semaphore, #tpu.memory_space<semaphore_mem>>
    %dma_start3A_404 = tpu.memref_squeeze %dma_start3A_403 : memref<1x!tpu.dma_semaphore, #tpu.memory_space<semaphore_mem>> -> memref<!tpu.dma_semaphore, #tpu.memory_space<semaphore_mem>>
    %dma_start3A_405 = arith.constant 0 : i32
    %dma_start3A_406 = tpu.memref_slice %arg4[%add3A_394, %dma_start3A_405] : memref<204800x64xf32, #tpu.memory_space<hbm>> -> memref<128x64xf32, #tpu.memory_space<hbm>>
    %dma_start3A_407 = arith.constant 0 : i32
    %dma_start3A_408 = arith.constant 0 : i32
    %dma_start3A_409 = tpu.memref_slice %arg6[%dma_start3A_395, %dma_start3A_407, %dma_start3A_408] : memref<5x128x64xf32, #tpu.memory_space<vmem>> -> memref<1x128x64xf32, #tpu.memory_space<vmem>>
    %dma_start3A_410 = tpu.memref_squeeze %dma_start3A_409 : memref<1x128x64xf32, #tpu.memory_space<vmem>> -> memref<128x64xf32, #tpu.memory_space<vmem>>
    tpu.enqueue_dma source(%dma_start3A_410 : memref<128x64xf32, #tpu.memory_space<vmem>>) target(%dma_start3A_406 : memref<128x64xf32, #tpu.memory_space<hbm>>) target_semaphore(%dma_start3A_404 : memref<!tpu.dma_semaphore, #tpu.memory_space<semaphore_mem>>)
    %dma_wait3A_411 = arith.constant 1 : i32
    %dma_wait3A_412 = arith.constant 1 : i32
    %dma_wait3A_413 = arith.constant 0 : i32
    %dma_wait3A_414 = arith.constant 0 : i32
    %dma_wait3A_415 = tpu.memref_slice %arg6[%dma_wait3A_411, %dma_wait3A_413, %dma_wait3A_414] : memref<5x128x64xf32, #tpu.memory_space<vmem>> -> memref<1x128x64xf32, #tpu.memory_space<vmem>>
    %dma_wait3A_416 = tpu.memref_squeeze %dma_wait3A_415 : memref<1x128x64xf32, #tpu.memory_space<vmem>> -> memref<128x64xf32, #tpu.memory_space<vmem>>
    %dma_wait3A_417 = arith.constant 5888 : i32
    %dma_wait3A_418 = tpu.memref_slice %arg5[%dma_wait3A_417] : memref<6400xi32, #tpu.memory_space<vmem>> -> memref<128xi32, #tpu.memory_space<vmem>>
    %dma_wait3A_419 = arith.constant 0 : i32
    %dma_wait3A_420 = arith.constant 0 : i32
    %dma_wait3A_421 = tpu.memref_slice %arg3[%dma_wait3A_419, %dma_wait3A_420] : memref<1000000x64xf32, #tpu.memory_space<hbm>> -> memref<1000000x64xf32, #tpu.memory_space<hbm>>
    %dma_wait3A_422 = tpu.memref_slice %arg7[%dma_wait3A_412] : memref<5x!tpu.dma_semaphore, #tpu.memory_space<semaphore_mem>> -> memref<1x!tpu.dma_semaphore, #tpu.memory_space<semaphore_mem>>
    %dma_wait3A_423 = tpu.memref_squeeze %dma_wait3A_422 : memref<1x!tpu.dma_semaphore, #tpu.memory_space<semaphore_mem>> -> memref<!tpu.dma_semaphore, #tpu.memory_space<semaphore_mem>>
    tpu.wait_indirect_dma semaphore(%dma_wait3A_423 : memref<!tpu.dma_semaphore, #tpu.memory_space<semaphore_mem>>) src(%dma_wait3A_421 : memref<1000000x64xf32, #tpu.memory_space<hbm>>) dst(%dma_wait3A_416 : memref<128x64xf32, #tpu.memory_space<vmem>>)
    %add3A_424 = arith.constant 5888 : i32
    %add3A_425 = arith.addi %mul3A_2, %add3A_424 : i32
    %dma_start3A_426 = arith.constant 1 : i32
    %dma_start3A_427 = arith.constant 1 : i32
    %dma_start3A_428 = arith.constant 0 : i32
    %dma_start3A_429 = arith.constant 0 : i32
    %dma_start3A_430 = tpu.memref_slice %arg6[%dma_start3A_426, %dma_start3A_428, %dma_start3A_429] : memref<5x128x64xf32, #tpu.memory_space<vmem>> -> memref<1x128x64xf32, #tpu.memory_space<vmem>>
    %dma_start3A_431 = tpu.memref_squeeze %dma_start3A_430 : memref<1x128x64xf32, #tpu.memory_space<vmem>> -> memref<128x64xf32, #tpu.memory_space<vmem>>
    %dma_start3A_432 = arith.constant 0 : i32
    %dma_start3A_433 = tpu.memref_slice %arg4[%add3A_425, %dma_start3A_432] : memref<204800x64xf32, #tpu.memory_space<hbm>> -> memref<128x64xf32, #tpu.memory_space<hbm>>
    %dma_start3A_434 = tpu.memref_slice %arg8[%dma_start3A_427] : memref<5x!tpu.dma_semaphore, #tpu.memory_space<semaphore_mem>> -> memref<1x!tpu.dma_semaphore, #tpu.memory_space<semaphore_mem>>
    %dma_start3A_435 = tpu.memref_squeeze %dma_start3A_434 : memref<1x!tpu.dma_semaphore, #tpu.memory_space<semaphore_mem>> -> memref<!tpu.dma_semaphore, #tpu.memory_space<semaphore_mem>>
    %dma_start3A_436 = arith.constant 0 : i32
    %dma_start3A_437 = tpu.memref_slice %arg4[%add3A_425, %dma_start3A_436] : memref<204800x64xf32, #tpu.memory_space<hbm>> -> memref<128x64xf32, #tpu.memory_space<hbm>>
    %dma_start3A_438 = arith.constant 0 : i32
    %dma_start3A_439 = arith.constant 0 : i32
    %dma_start3A_440 = tpu.memref_slice %arg6[%dma_start3A_426, %dma_start3A_438, %dma_start3A_439] : memref<5x128x64xf32, #tpu.memory_space<vmem>> -> memref<1x128x64xf32, #tpu.memory_space<vmem>>
    %dma_start3A_441 = tpu.memref_squeeze %dma_start3A_440 : memref<1x128x64xf32, #tpu.memory_space<vmem>> -> memref<128x64xf32, #tpu.memory_space<vmem>>
    tpu.enqueue_dma source(%dma_start3A_441 : memref<128x64xf32, #tpu.memory_space<vmem>>) target(%dma_start3A_437 : memref<128x64xf32, #tpu.memory_space<hbm>>) target_semaphore(%dma_start3A_435 : memref<!tpu.dma_semaphore, #tpu.memory_space<semaphore_mem>>)
    %dma_wait3A_442 = arith.constant 2 : i32
    %dma_wait3A_443 = arith.constant 2 : i32
    %dma_wait3A_444 = arith.constant 0 : i32
    %dma_wait3A_445 = arith.constant 0 : i32
    %dma_wait3A_446 = tpu.memref_slice %arg6[%dma_wait3A_442, %dma_wait3A_444, %dma_wait3A_445] : memref<5x128x64xf32, #tpu.memory_space<vmem>> -> memref<1x128x64xf32, #tpu.memory_space<vmem>>
    %dma_wait3A_447 = tpu.memref_squeeze %dma_wait3A_446 : memref<1x128x64xf32, #tpu.memory_space<vmem>> -> memref<128x64xf32, #tpu.memory_space<vmem>>
    %dma_wait3A_448 = arith.constant 6016 : i32
    %dma_wait3A_449 = tpu.memref_slice %arg5[%dma_wait3A_448] : memref<6400xi32, #tpu.memory_space<vmem>> -> memref<128xi32, #tpu.memory_space<vmem>>
    %dma_wait3A_450 = arith.constant 0 : i32
    %dma_wait3A_451 = arith.constant 0 : i32
    %dma_wait3A_452 = tpu.memref_slice %arg3[%dma_wait3A_450, %dma_wait3A_451] : memref<1000000x64xf32, #tpu.memory_space<hbm>> -> memref<1000000x64xf32, #tpu.memory_space<hbm>>
    %dma_wait3A_453 = tpu.memref_slice %arg7[%dma_wait3A_443] : memref<5x!tpu.dma_semaphore, #tpu.memory_space<semaphore_mem>> -> memref<1x!tpu.dma_semaphore, #tpu.memory_space<semaphore_mem>>
    %dma_wait3A_454 = tpu.memref_squeeze %dma_wait3A_453 : memref<1x!tpu.dma_semaphore, #tpu.memory_space<semaphore_mem>> -> memref<!tpu.dma_semaphore, #tpu.memory_space<semaphore_mem>>
    tpu.wait_indirect_dma semaphore(%dma_wait3A_454 : memref<!tpu.dma_semaphore, #tpu.memory_space<semaphore_mem>>) src(%dma_wait3A_452 : memref<1000000x64xf32, #tpu.memory_space<hbm>>) dst(%dma_wait3A_447 : memref<128x64xf32, #tpu.memory_space<vmem>>)
    %add3A_455 = arith.constant 6016 : i32
    %add3A_456 = arith.addi %mul3A_2, %add3A_455 : i32
    %dma_start3A_457 = arith.constant 2 : i32
    %dma_start3A_458 = arith.constant 2 : i32
    %dma_start3A_459 = arith.constant 0 : i32
    %dma_start3A_460 = arith.constant 0 : i32
    %dma_start3A_461 = tpu.memref_slice %arg6[%dma_start3A_457, %dma_start3A_459, %dma_start3A_460] : memref<5x128x64xf32, #tpu.memory_space<vmem>> -> memref<1x128x64xf32, #tpu.memory_space<vmem>>
    %dma_start3A_462 = tpu.memref_squeeze %dma_start3A_461 : memref<1x128x64xf32, #tpu.memory_space<vmem>> -> memref<128x64xf32, #tpu.memory_space<vmem>>
    %dma_start3A_463 = arith.constant 0 : i32
    %dma_start3A_464 = tpu.memref_slice %arg4[%add3A_456, %dma_start3A_463] : memref<204800x64xf32, #tpu.memory_space<hbm>> -> memref<128x64xf32, #tpu.memory_space<hbm>>
    %dma_start3A_465 = tpu.memref_slice %arg8[%dma_start3A_458] : memref<5x!tpu.dma_semaphore, #tpu.memory_space<semaphore_mem>> -> memref<1x!tpu.dma_semaphore, #tpu.memory_space<semaphore_mem>>
    %dma_start3A_466 = tpu.memref_squeeze %dma_start3A_465 : memref<1x!tpu.dma_semaphore, #tpu.memory_space<semaphore_mem>> -> memref<!tpu.dma_semaphore, #tpu.memory_space<semaphore_mem>>
    %dma_start3A_467 = arith.constant 0 : i32
    %dma_start3A_468 = tpu.memref_slice %arg4[%add3A_456, %dma_start3A_467] : memref<204800x64xf32, #tpu.memory_space<hbm>> -> memref<128x64xf32, #tpu.memory_space<hbm>>
    %dma_start3A_469 = arith.constant 0 : i32
    %dma_start3A_470 = arith.constant 0 : i32
    %dma_start3A_471 = tpu.memref_slice %arg6[%dma_start3A_457, %dma_start3A_469, %dma_start3A_470] : memref<5x128x64xf32, #tpu.memory_space<vmem>> -> memref<1x128x64xf32, #tpu.memory_space<vmem>>
    %dma_start3A_472 = tpu.memref_squeeze %dma_start3A_471 : memref<1x128x64xf32, #tpu.memory_space<vmem>> -> memref<128x64xf32, #tpu.memory_space<vmem>>
    tpu.enqueue_dma source(%dma_start3A_472 : memref<128x64xf32, #tpu.memory_space<vmem>>) target(%dma_start3A_468 : memref<128x64xf32, #tpu.memory_space<hbm>>) target_semaphore(%dma_start3A_466 : memref<!tpu.dma_semaphore, #tpu.memory_space<semaphore_mem>>)
    %dma_wait3A_473 = arith.constant 3 : i32
    %dma_wait3A_474 = arith.constant 3 : i32
    %dma_wait3A_475 = arith.constant 0 : i32
    %dma_wait3A_476 = arith.constant 0 : i32
    %dma_wait3A_477 = tpu.memref_slice %arg6[%dma_wait3A_473, %dma_wait3A_475, %dma_wait3A_476] : memref<5x128x64xf32, #tpu.memory_space<vmem>> -> memref<1x128x64xf32, #tpu.memory_space<vmem>>
    %dma_wait3A_478 = tpu.memref_squeeze %dma_wait3A_477 : memref<1x128x64xf32, #tpu.memory_space<vmem>> -> memref<128x64xf32, #tpu.memory_space<vmem>>
    %dma_wait3A_479 = arith.constant 6144 : i32
    %dma_wait3A_480 = tpu.memref_slice %arg5[%dma_wait3A_479] : memref<6400xi32, #tpu.memory_space<vmem>> -> memref<128xi32, #tpu.memory_space<vmem>>
    %dma_wait3A_481 = arith.constant 0 : i32
    %dma_wait3A_482 = arith.constant 0 : i32
    %dma_wait3A_483 = tpu.memref_slice %arg3[%dma_wait3A_481, %dma_wait3A_482] : memref<1000000x64xf32, #tpu.memory_space<hbm>> -> memref<1000000x64xf32, #tpu.memory_space<hbm>>
    %dma_wait3A_484 = tpu.memref_slice %arg7[%dma_wait3A_474] : memref<5x!tpu.dma_semaphore, #tpu.memory_space<semaphore_mem>> -> memref<1x!tpu.dma_semaphore, #tpu.memory_space<semaphore_mem>>
    %dma_wait3A_485 = tpu.memref_squeeze %dma_wait3A_484 : memref<1x!tpu.dma_semaphore, #tpu.memory_space<semaphore_mem>> -> memref<!tpu.dma_semaphore, #tpu.memory_space<semaphore_mem>>
    tpu.wait_indirect_dma semaphore(%dma_wait3A_485 : memref<!tpu.dma_semaphore, #tpu.memory_space<semaphore_mem>>) src(%dma_wait3A_483 : memref<1000000x64xf32, #tpu.memory_space<hbm>>) dst(%dma_wait3A_478 : memref<128x64xf32, #tpu.memory_space<vmem>>)
    %add3A_486 = arith.constant 6144 : i32
    %add3A_487 = arith.addi %mul3A_2, %add3A_486 : i32
    %dma_start3A_488 = arith.constant 3 : i32
    %dma_start3A_489 = arith.constant 3 : i32
    %dma_start3A_490 = arith.constant 0 : i32
    %dma_start3A_491 = arith.constant 0 : i32
    %dma_start3A_492 = tpu.memref_slice %arg6[%dma_start3A_488, %dma_start3A_490, %dma_start3A_491] : memref<5x128x64xf32, #tpu.memory_space<vmem>> -> memref<1x128x64xf32, #tpu.memory_space<vmem>>
    %dma_start3A_493 = tpu.memref_squeeze %dma_start3A_492 : memref<1x128x64xf32, #tpu.memory_space<vmem>> -> memref<128x64xf32, #tpu.memory_space<vmem>>
    %dma_start3A_494 = arith.constant 0 : i32
    %dma_start3A_495 = tpu.memref_slice %arg4[%add3A_487, %dma_start3A_494] : memref<204800x64xf32, #tpu.memory_space<hbm>> -> memref<128x64xf32, #tpu.memory_space<hbm>>
    %dma_start3A_496 = tpu.memref_slice %arg8[%dma_start3A_489] : memref<5x!tpu.dma_semaphore, #tpu.memory_space<semaphore_mem>> -> memref<1x!tpu.dma_semaphore, #tpu.memory_space<semaphore_mem>>
    %dma_start3A_497 = tpu.memref_squeeze %dma_start3A_496 : memref<1x!tpu.dma_semaphore, #tpu.memory_space<semaphore_mem>> -> memref<!tpu.dma_semaphore, #tpu.memory_space<semaphore_mem>>
    %dma_start3A_498 = arith.constant 0 : i32
    %dma_start3A_499 = tpu.memref_slice %arg4[%add3A_487, %dma_start3A_498] : memref<204800x64xf32, #tpu.memory_space<hbm>> -> memref<128x64xf32, #tpu.memory_space<hbm>>
    %dma_start3A_500 = arith.constant 0 : i32
    %dma_start3A_501 = arith.constant 0 : i32
    %dma_start3A_502 = tpu.memref_slice %arg6[%dma_start3A_488, %dma_start3A_500, %dma_start3A_501] : memref<5x128x64xf32, #tpu.memory_space<vmem>> -> memref<1x128x64xf32, #tpu.memory_space<vmem>>
    %dma_start3A_503 = tpu.memref_squeeze %dma_start3A_502 : memref<1x128x64xf32, #tpu.memory_space<vmem>> -> memref<128x64xf32, #tpu.memory_space<vmem>>
    tpu.enqueue_dma source(%dma_start3A_503 : memref<128x64xf32, #tpu.memory_space<vmem>>) target(%dma_start3A_499 : memref<128x64xf32, #tpu.memory_space<hbm>>) target_semaphore(%dma_start3A_497 : memref<!tpu.dma_semaphore, #tpu.memory_space<semaphore_mem>>)
    %dma_wait3A_504 = arith.constant 4 : i32
    %dma_wait3A_505 = arith.constant 4 : i32
    %dma_wait3A_506 = arith.constant 0 : i32
    %dma_wait3A_507 = arith.constant 0 : i32
    %dma_wait3A_508 = tpu.memref_slice %arg6[%dma_wait3A_504, %dma_wait3A_506, %dma_wait3A_507] : memref<5x128x64xf32, #tpu.memory_space<vmem>> -> memref<1x128x64xf32, #tpu.memory_space<vmem>>
    %dma_wait3A_509 = tpu.memref_squeeze %dma_wait3A_508 : memref<1x128x64xf32, #tpu.memory_space<vmem>> -> memref<128x64xf32, #tpu.memory_space<vmem>>
    %dma_wait3A_510 = arith.constant 6272 : i32
    %dma_wait3A_511 = tpu.memref_slice %arg5[%dma_wait3A_510] : memref<6400xi32, #tpu.memory_space<vmem>> -> memref<128xi32, #tpu.memory_space<vmem>>
    %dma_wait3A_512 = arith.constant 0 : i32
    %dma_wait3A_513 = arith.constant 0 : i32
    %dma_wait3A_514 = tpu.memref_slice %arg3[%dma_wait3A_512, %dma_wait3A_513] : memref<1000000x64xf32, #tpu.memory_space<hbm>> -> memref<1000000x64xf32, #tpu.memory_space<hbm>>
    %dma_wait3A_515 = tpu.memref_slice %arg7[%dma_wait3A_505] : memref<5x!tpu.dma_semaphore, #tpu.memory_space<semaphore_mem>> -> memref<1x!tpu.dma_semaphore, #tpu.memory_space<semaphore_mem>>
    %dma_wait3A_516 = tpu.memref_squeeze %dma_wait3A_515 : memref<1x!tpu.dma_semaphore, #tpu.memory_space<semaphore_mem>> -> memref<!tpu.dma_semaphore, #tpu.memory_space<semaphore_mem>>
    tpu.wait_indirect_dma semaphore(%dma_wait3A_516 : memref<!tpu.dma_semaphore, #tpu.memory_space<semaphore_mem>>) src(%dma_wait3A_514 : memref<1000000x64xf32, #tpu.memory_space<hbm>>) dst(%dma_wait3A_509 : memref<128x64xf32, #tpu.memory_space<vmem>>)
    %add3A_517 = arith.constant 6272 : i32
    %add3A_518 = arith.addi %mul3A_2, %add3A_517 : i32
    %dma_start3A_519 = arith.constant 4 : i32
    %dma_start3A_520 = arith.constant 4 : i32
    %dma_start3A_521 = arith.constant 0 : i32
    %dma_start3A_522 = arith.constant 0 : i32
    %dma_start3A_523 = tpu.memref_slice %arg6[%dma_start3A_519, %dma_start3A_521, %dma_start3A_522] : memref<5x128x64xf32, #tpu.memory_space<vmem>> -> memref<1x128x64xf32, #tpu.memory_space<vmem>>
    %dma_start3A_524 = tpu.memref_squeeze %dma_start3A_523 : memref<1x128x64xf32, #tpu.memory_space<vmem>> -> memref<128x64xf32, #tpu.memory_space<vmem>>
    %dma_start3A_525 = arith.constant 0 : i32
    %dma_start3A_526 = tpu.memref_slice %arg4[%add3A_518, %dma_start3A_525] : memref<204800x64xf32, #tpu.memory_space<hbm>> -> memref<128x64xf32, #tpu.memory_space<hbm>>
    %dma_start3A_527 = tpu.memref_slice %arg8[%dma_start3A_520] : memref<5x!tpu.dma_semaphore, #tpu.memory_space<semaphore_mem>> -> memref<1x!tpu.dma_semaphore, #tpu.memory_space<semaphore_mem>>
    %dma_start3A_528 = tpu.memref_squeeze %dma_start3A_527 : memref<1x!tpu.dma_semaphore, #tpu.memory_space<semaphore_mem>> -> memref<!tpu.dma_semaphore, #tpu.memory_space<semaphore_mem>>
    %dma_start3A_529 = arith.constant 0 : i32
    %dma_start3A_530 = tpu.memref_slice %arg4[%add3A_518, %dma_start3A_529] : memref<204800x64xf32, #tpu.memory_space<hbm>> -> memref<128x64xf32, #tpu.memory_space<hbm>>
    %dma_start3A_531 = arith.constant 0 : i32
    %dma_start3A_532 = arith.constant 0 : i32
    %dma_start3A_533 = tpu.memref_slice %arg6[%dma_start3A_519, %dma_start3A_531, %dma_start3A_532] : memref<5x128x64xf32, #tpu.memory_space<vmem>> -> memref<1x128x64xf32, #tpu.memory_space<vmem>>
    %dma_start3A_534 = tpu.memref_squeeze %dma_start3A_533 : memref<1x128x64xf32, #tpu.memory_space<vmem>> -> memref<128x64xf32, #tpu.memory_space<vmem>>
    tpu.enqueue_dma source(%dma_start3A_534 : memref<128x64xf32, #tpu.memory_space<vmem>>) target(%dma_start3A_530 : memref<128x64xf32, #tpu.memory_space<hbm>>) target_semaphore(%dma_start3A_528 : memref<!tpu.dma_semaphore, #tpu.memory_space<semaphore_mem>>)
    %add3A_535 = arith.constant 5760 : i32
    %add3A_536 = arith.addi %mul3A_2, %add3A_535 : i32
    %dma_wait3A_537 = arith.constant 0 : i32
    %dma_wait3A_538 = arith.constant 0 : i32
    %dma_wait3A_539 = arith.constant 0 : i32
    %dma_wait3A_540 = arith.constant 0 : i32
    %dma_wait3A_541 = tpu.memref_slice %arg6[%dma_wait3A_537, %dma_wait3A_539, %dma_wait3A_540] : memref<5x128x64xf32, #tpu.memory_space<vmem>> -> memref<1x128x64xf32, #tpu.memory_space<vmem>>
    %dma_wait3A_542 = tpu.memref_squeeze %dma_wait3A_541 : memref<1x128x64xf32, #tpu.memory_space<vmem>> -> memref<128x64xf32, #tpu.memory_space<vmem>>
    %dma_wait3A_543 = arith.constant 0 : i32
    %dma_wait3A_544 = tpu.memref_slice %arg4[%add3A_536, %dma_wait3A_543] : memref<204800x64xf32, #tpu.memory_space<hbm>> -> memref<128x64xf32, #tpu.memory_space<hbm>>
    %dma_wait3A_545 = tpu.memref_slice %arg8[%dma_wait3A_538] : memref<5x!tpu.dma_semaphore, #tpu.memory_space<semaphore_mem>> -> memref<1x!tpu.dma_semaphore, #tpu.memory_space<semaphore_mem>>
    %dma_wait3A_546 = tpu.memref_squeeze %dma_wait3A_545 : memref<1x!tpu.dma_semaphore, #tpu.memory_space<semaphore_mem>> -> memref<!tpu.dma_semaphore, #tpu.memory_space<semaphore_mem>>
    %dma_wait3A_547 = arith.constant 0 : i32
    %dma_wait3A_548 = tpu.memref_slice %arg4[%add3A_536, %dma_wait3A_547] : memref<204800x64xf32, #tpu.memory_space<hbm>> -> memref<128x64xf32, #tpu.memory_space<hbm>>
    %dma_wait3A_549 = arith.constant 0 : i32
    %dma_wait3A_550 = arith.constant 0 : i32
    %dma_wait3A_551 = tpu.memref_slice %arg6[%dma_wait3A_537, %dma_wait3A_549, %dma_wait3A_550] : memref<5x128x64xf32, #tpu.memory_space<vmem>> -> memref<1x128x64xf32, #tpu.memory_space<vmem>>
    %dma_wait3A_552 = tpu.memref_squeeze %dma_wait3A_551 : memref<1x128x64xf32, #tpu.memory_space<vmem>> -> memref<128x64xf32, #tpu.memory_space<vmem>>
    tpu.wait_dma2 semaphore(%dma_wait3A_546 : memref<!tpu.dma_semaphore, #tpu.memory_space<semaphore_mem>>) src(%dma_wait3A_552 : memref<128x64xf32, #tpu.memory_space<vmem>>) dst(%dma_wait3A_548 : memref<128x64xf32, #tpu.memory_space<hbm>>)
    %add3A_553 = arith.constant 5888 : i32
    %add3A_554 = arith.addi %mul3A_2, %add3A_553 : i32
    %dma_wait3A_555 = arith.constant 1 : i32
    %dma_wait3A_556 = arith.constant 1 : i32
    %dma_wait3A_557 = arith.constant 0 : i32
    %dma_wait3A_558 = arith.constant 0 : i32
    %dma_wait3A_559 = tpu.memref_slice %arg6[%dma_wait3A_555, %dma_wait3A_557, %dma_wait3A_558] : memref<5x128x64xf32, #tpu.memory_space<vmem>> -> memref<1x128x64xf32, #tpu.memory_space<vmem>>
    %dma_wait3A_560 = tpu.memref_squeeze %dma_wait3A_559 : memref<1x128x64xf32, #tpu.memory_space<vmem>> -> memref<128x64xf32, #tpu.memory_space<vmem>>
    %dma_wait3A_561 = arith.constant 0 : i32
    %dma_wait3A_562 = tpu.memref_slice %arg4[%add3A_554, %dma_wait3A_561] : memref<204800x64xf32, #tpu.memory_space<hbm>> -> memref<128x64xf32, #tpu.memory_space<hbm>>
    %dma_wait3A_563 = tpu.memref_slice %arg8[%dma_wait3A_556] : memref<5x!tpu.dma_semaphore, #tpu.memory_space<semaphore_mem>> -> memref<1x!tpu.dma_semaphore, #tpu.memory_space<semaphore_mem>>
    %dma_wait3A_564 = tpu.memref_squeeze %dma_wait3A_563 : memref<1x!tpu.dma_semaphore, #tpu.memory_space<semaphore_mem>> -> memref<!tpu.dma_semaphore, #tpu.memory_space<semaphore_mem>>
    %dma_wait3A_565 = arith.constant 0 : i32
    %dma_wait3A_566 = tpu.memref_slice %arg4[%add3A_554, %dma_wait3A_565] : memref<204800x64xf32, #tpu.memory_space<hbm>> -> memref<128x64xf32, #tpu.memory_space<hbm>>
    %dma_wait3A_567 = arith.constant 0 : i32
    %dma_wait3A_568 = arith.constant 0 : i32
    %dma_wait3A_569 = tpu.memref_slice %arg6[%dma_wait3A_555, %dma_wait3A_567, %dma_wait3A_568] : memref<5x128x64xf32, #tpu.memory_space<vmem>> -> memref<1x128x64xf32, #tpu.memory_space<vmem>>
    %dma_wait3A_570 = tpu.memref_squeeze %dma_wait3A_569 : memref<1x128x64xf32, #tpu.memory_space<vmem>> -> memref<128x64xf32, #tpu.memory_space<vmem>>
    tpu.wait_dma2 semaphore(%dma_wait3A_564 : memref<!tpu.dma_semaphore, #tpu.memory_space<semaphore_mem>>) src(%dma_wait3A_570 : memref<128x64xf32, #tpu.memory_space<vmem>>) dst(%dma_wait3A_566 : memref<128x64xf32, #tpu.memory_space<hbm>>)
    %add3A_571 = arith.constant 6016 : i32
    %add3A_572 = arith.addi %mul3A_2, %add3A_571 : i32
    %dma_wait3A_573 = arith.constant 2 : i32
    %dma_wait3A_574 = arith.constant 2 : i32
    %dma_wait3A_575 = arith.constant 0 : i32
    %dma_wait3A_576 = arith.constant 0 : i32
    %dma_wait3A_577 = tpu.memref_slice %arg6[%dma_wait3A_573, %dma_wait3A_575, %dma_wait3A_576] : memref<5x128x64xf32, #tpu.memory_space<vmem>> -> memref<1x128x64xf32, #tpu.memory_space<vmem>>
    %dma_wait3A_578 = tpu.memref_squeeze %dma_wait3A_577 : memref<1x128x64xf32, #tpu.memory_space<vmem>> -> memref<128x64xf32, #tpu.memory_space<vmem>>
    %dma_wait3A_579 = arith.constant 0 : i32
    %dma_wait3A_580 = tpu.memref_slice %arg4[%add3A_572, %dma_wait3A_579] : memref<204800x64xf32, #tpu.memory_space<hbm>> -> memref<128x64xf32, #tpu.memory_space<hbm>>
    %dma_wait3A_581 = tpu.memref_slice %arg8[%dma_wait3A_574] : memref<5x!tpu.dma_semaphore, #tpu.memory_space<semaphore_mem>> -> memref<1x!tpu.dma_semaphore, #tpu.memory_space<semaphore_mem>>
    %dma_wait3A_582 = tpu.memref_squeeze %dma_wait3A_581 : memref<1x!tpu.dma_semaphore, #tpu.memory_space<semaphore_mem>> -> memref<!tpu.dma_semaphore, #tpu.memory_space<semaphore_mem>>
    %dma_wait3A_583 = arith.constant 0 : i32
    %dma_wait3A_584 = tpu.memref_slice %arg4[%add3A_572, %dma_wait3A_583] : memref<204800x64xf32, #tpu.memory_space<hbm>> -> memref<128x64xf32, #tpu.memory_space<hbm>>
    %dma_wait3A_585 = arith.constant 0 : i32
    %dma_wait3A_586 = arith.constant 0 : i32
    %dma_wait3A_587 = tpu.memref_slice %arg6[%dma_wait3A_573, %dma_wait3A_585, %dma_wait3A_586] : memref<5x128x64xf32, #tpu.memory_space<vmem>> -> memref<1x128x64xf32, #tpu.memory_space<vmem>>
    %dma_wait3A_588 = tpu.memref_squeeze %dma_wait3A_587 : memref<1x128x64xf32, #tpu.memory_space<vmem>> -> memref<128x64xf32, #tpu.memory_space<vmem>>
    tpu.wait_dma2 semaphore(%dma_wait3A_582 : memref<!tpu.dma_semaphore, #tpu.memory_space<semaphore_mem>>) src(%dma_wait3A_588 : memref<128x64xf32, #tpu.memory_space<vmem>>) dst(%dma_wait3A_584 : memref<128x64xf32, #tpu.memory_space<hbm>>)
    %add3A_589 = arith.constant 6144 : i32
    %add3A_590 = arith.addi %mul3A_2, %add3A_589 : i32
    %dma_wait3A_591 = arith.constant 3 : i32
    %dma_wait3A_592 = arith.constant 3 : i32
    %dma_wait3A_593 = arith.constant 0 : i32
    %dma_wait3A_594 = arith.constant 0 : i32
    %dma_wait3A_595 = tpu.memref_slice %arg6[%dma_wait3A_591, %dma_wait3A_593, %dma_wait3A_594] : memref<5x128x64xf32, #tpu.memory_space<vmem>> -> memref<1x128x64xf32, #tpu.memory_space<vmem>>
    %dma_wait3A_596 = tpu.memref_squeeze %dma_wait3A_595 : memref<1x128x64xf32, #tpu.memory_space<vmem>> -> memref<128x64xf32, #tpu.memory_space<vmem>>
    %dma_wait3A_597 = arith.constant 0 : i32
    %dma_wait3A_598 = tpu.memref_slice %arg4[%add3A_590, %dma_wait3A_597] : memref<204800x64xf32, #tpu.memory_space<hbm>> -> memref<128x64xf32, #tpu.memory_space<hbm>>
    %dma_wait3A_599 = tpu.memref_slice %arg8[%dma_wait3A_592] : memref<5x!tpu.dma_semaphore, #tpu.memory_space<semaphore_mem>> -> memref<1x!tpu.dma_semaphore, #tpu.memory_space<semaphore_mem>>
    %dma_wait3A_600 = tpu.memref_squeeze %dma_wait3A_599 : memref<1x!tpu.dma_semaphore, #tpu.memory_space<semaphore_mem>> -> memref<!tpu.dma_semaphore, #tpu.memory_space<semaphore_mem>>
    %dma_wait3A_601 = arith.constant 0 : i32
    %dma_wait3A_602 = tpu.memref_slice %arg4[%add3A_590, %dma_wait3A_601] : memref<204800x64xf32, #tpu.memory_space<hbm>> -> memref<128x64xf32, #tpu.memory_space<hbm>>
    %dma_wait3A_603 = arith.constant 0 : i32
    %dma_wait3A_604 = arith.constant 0 : i32
    %dma_wait3A_605 = tpu.memref_slice %arg6[%dma_wait3A_591, %dma_wait3A_603, %dma_wait3A_604] : memref<5x128x64xf32, #tpu.memory_space<vmem>> -> memref<1x128x64xf32, #tpu.memory_space<vmem>>
    %dma_wait3A_606 = tpu.memref_squeeze %dma_wait3A_605 : memref<1x128x64xf32, #tpu.memory_space<vmem>> -> memref<128x64xf32, #tpu.memory_space<vmem>>
    tpu.wait_dma2 semaphore(%dma_wait3A_600 : memref<!tpu.dma_semaphore, #tpu.memory_space<semaphore_mem>>) src(%dma_wait3A_606 : memref<128x64xf32, #tpu.memory_space<vmem>>) dst(%dma_wait3A_602 : memref<128x64xf32, #tpu.memory_space<hbm>>)
    %add3A_607 = arith.constant 6272 : i32
    %add3A_608 = arith.addi %mul3A_2, %add3A_607 : i32
    %dma_wait3A_609 = arith.constant 4 : i32
    %dma_wait3A_610 = arith.constant 4 : i32
    %dma_wait3A_611 = arith.constant 0 : i32
    %dma_wait3A_612 = arith.constant 0 : i32
    %dma_wait3A_613 = tpu.memref_slice %arg6[%dma_wait3A_609, %dma_wait3A_611, %dma_wait3A_612] : memref<5x128x64xf32, #tpu.memory_space<vmem>> -> memref<1x128x64xf32, #tpu.memory_space<vmem>>
    %dma_wait3A_614 = tpu.memref_squeeze %dma_wait3A_613 : memref<1x128x64xf32, #tpu.memory_space<vmem>> -> memref<128x64xf32, #tpu.memory_space<vmem>>
    %dma_wait3A_615 = arith.constant 0 : i32
    %dma_wait3A_616 = tpu.memref_slice %arg4[%add3A_608, %dma_wait3A_615] : memref<204800x64xf32, #tpu.memory_space<hbm>> -> memref<128x64xf32, #tpu.memory_space<hbm>>
    %dma_wait3A_617 = tpu.memref_slice %arg8[%dma_wait3A_610] : memref<5x!tpu.dma_semaphore, #tpu.memory_space<semaphore_mem>> -> memref<1x!tpu.dma_semaphore, #tpu.memory_space<semaphore_mem>>
    %dma_wait3A_618 = tpu.memref_squeeze %dma_wait3A_617 : memref<1x!tpu.dma_semaphore, #tpu.memory_space<semaphore_mem>> -> memref<!tpu.dma_semaphore, #tpu.memory_space<semaphore_mem>>
    %dma_wait3A_619 = arith.constant 0 : i32
    %dma_wait3A_620 = tpu.memref_slice %arg4[%add3A_608, %dma_wait3A_619] : memref<204800x64xf32, #tpu.memory_space<hbm>> -> memref<128x64xf32, #tpu.memory_space<hbm>>
    %dma_wait3A_621 = arith.constant 0 : i32
    %dma_wait3A_622 = arith.constant 0 : i32
    %dma_wait3A_623 = tpu.memref_slice %arg6[%dma_wait3A_609, %dma_wait3A_621, %dma_wait3A_622] : memref<5x128x64xf32, #tpu.memory_space<vmem>> -> memref<1x128x64xf32, #tpu.memory_space<vmem>>
    %dma_wait3A_624 = tpu.memref_squeeze %dma_wait3A_623 : memref<1x128x64xf32, #tpu.memory_space<vmem>> -> memref<128x64xf32, #tpu.memory_space<vmem>>
    tpu.wait_dma2 semaphore(%dma_wait3A_618 : memref<!tpu.dma_semaphore, #tpu.memory_space<semaphore_mem>>) src(%dma_wait3A_624 : memref<128x64xf32, #tpu.memory_space<vmem>>) dst(%dma_wait3A_620 : memref<128x64xf32, #tpu.memory_space<hbm>>)
    return
  }
}

</mosaic_0001>

<sc_bundles>
// kernel: kernel.3.cloned.1.call-start
scs
__scs_entry_jumppad:
0x0: {  	(pc) =	sbr.rel $0x88, $3  }
0x1: {  	(tag) =	ssettag $0x0;
	lr =	simm.s32 $0x1  }
0x2: {  	[smem:$0x3F9F] =	sst lr;
	_ =	strace $0xD0000000  }
0x3: {  	_ = 	snop  }
0x4: {  	_ = 	snop  }
0x5: {  	_ = 	snop  }
0x6: {  	_ = 	snop  }
0x7: {  	_ = 	snop  }
__scs_overlays_trampoline_lowered:
0x8: {  	[smem:$0x3FAE] =	sst s0  }
0x9: {  	[smem:$0x3FAF] =	sst s1  }
0xa: {  	[smem:$0x3FB0] =	sst s2  }
0xb: {  	[smem:$0x3FB1] =	sst s3  }
0xc: {  	[smem:$0x3FB2] =	sst s4  }
0xd: {  	[smem:$0x3FB3] =	sst s5  }
0xe: {  	[smem:$0x3FB4] =	sst s6  }
0xf: {  	[smem:$0x3FB5] =	sst s7  }
0x10: {  	[smem:$0x3FB6] =	sst s8  }
0x11: {  	[smem:$0x3FB7] =	sst s9;
	s0 =	simm.s32 @!p0 $0x0  }
0x12: {  	s1 =	sld [smem:$0x3F9D];
	s0 =	simm.s32 @p0 $0x1  }
0x13: {  	[smem:$0x3FB8] =	sst s0;
	s0 =	simm.s32 @!p1 $0x0  }
0x14: {  	s2 =	sld [smem:$0x3F9C];
	s0 =	simm.s32 @p1 $0x1  }
0x15: {  	[smem:$0x3FB9] =	sst s0;
	s0 =	simm.s32 @!p2 $0x0  }
0x16: {  	s3 =	sld [smem:$0x3FDB];
	s0 =	simm.s32 @p2 $0x1  }
0x17: {  	s4 =	simm.s32 $0x1BF5;
	[smem:$0x3FBB] =	sst s0  }
0x18: {  	s0 =	sld [smem:$0x3F9E];
	_ =	swait.ge [sflag:s4], $0x0  }
0x19: {  	s7 =	sld [smem:$0x3F9F]  }
0x1a: {  	s8 =	sadd.s32 $0xFFFFE003, lr  }
0x1b: {  	s9 =	sadd.s32 $0xFFFFFEF7, lr;
	s5 =	simm.s32 $0xFFFFFFFF;
	p2 =	slt.u32 s8, $0xFFFFF086  }
0x1c: {  	p1 =	slt.u32 s9, $0xF7A;
	s5 =	simm.s32 @!p2 $0x0  }
0x1d: {  	s5 =	simm.s32 @p1 $0x1;
	p0 =	seq.s32 s7, s2  }
0x1e: {  	s7 =	smul.u32 @!p0 $0xF7A, s2;
	p2 =	seq.s32 @!p0 s5, $0x0  }
0x1f: {  	s9 =	smul.u32 $0xF7A, s1;
	s8 =	simm.s32 @!p0 $0x1BF5;
	p2 =	por !p2, p0  }
0x20: {  	[sflag:s8] =	ssyncset.s32 @!p0 $0xFFFFF086;
	s6 =	sadd.s32 @!p0 s3, s7;
	s7 =	simm.s32 @!p0 $0x108  }
0x21: {  	s3 =	sadd.s32 s3, s9;
	s6 =	sadd.s32 @!p0 $0x88, s6;
	s7 =	simm.s32 @p2 $0x1082  }
0x22: {  	[simem:s7], [sflag:s8] =	dma.local @!p0 [hbm:s6], $0xF7A  }
0x23: {  	s9 =	sor.u32 $0xD0000000, s2;
	s6 =	simm.s32 $0x108;
	_ =	swait.ge @!p0 [sflag:s8], $0x0  }
0x24: {  	s3 =	sadd.s32 $0x88, s3;
	s6 =	simm.s32 @!p1 $0x1082;
	[sflag:s4] =	ssyncset.s32 $0xFFFFF086  }
0x25: {  	[simem:s6], [sflag:s4] =	dma.local [hbm:s3], $0xF7A  }
0x26: {  	[smem:$0x3F9F] =	sst s1;
	(tag) =	ssettag s2;
	_ =	strace s9  }
0x27: {  	s1 =	sld [smem:$0x3FAF]  }
0x28: {  	s2 =	sld [smem:$0x3FB0]  }
0x29: {  	s4 =	sld [smem:$0x3FB2]  }
0x2a: {  	p0 =	seq.s32 s5, $0x0;
	s5 =	sld [smem:$0x3FB3]  }
0x2b: {  	s6 =	sld [smem:$0x3FB4]  }
0x2c: {  	s7 =	sld [smem:$0x3FB5]  }
0x2d: {  	s3 =	simm.s32 $0x108;
	s8 =	sld [smem:$0x3FB6]  }
0x2e: {  	s3 =	simm.s32 @!p0 $0x1082;
	s9 =	sld [smem:$0x3FB7]  }
0x2f: {  	lr =	sadd.s32 s0, s3;
	s0 =	sld [smem:$0x3FAE]  }
0x30: {  	s3 =	sld [smem:$0x3FB1]  }
0x31: {  	[smem:$0x3FBA] =	sst s10  }
0x32: {  	s10 =	sld [smem:$0x3FB8];
	_ =	sdelay $0x3  }
0x33: {  	p0 =	seq.s32 s10, $0x1;
	s10 =	sld [smem:$0x3FBA];
	_ =	sdelay $0x3  }
0x34: {  	[smem:$0x3FBA] =	sst s10  }
0x35: {  	s10 =	sld [smem:$0x3FB9];
	_ =	sdelay $0x3  }
0x36: {  	p1 =	seq.s32 s10, $0x1;
	s10 =	sld [smem:$0x3FBA];
	_ =	sdelay $0x3  }
0x37: {  	[smem:$0x3FBA] =	sst s10  }
0x38: {  	s10 =	sld [smem:$0x3FBB]  }
0x39: {  	_ = 	snop;
	(pc) =	sbr.ind lr, $3  }
0x3a: {  	_ = 	snop  }
0x3b: {  	_ = 	snop  }
0x3c: {  	p2 =	seq.s32 s10, $0x1;
	s10 =	sld [smem:$0x3FBA]  }
0x3d: {  	_ =	shalt  }
0x3e: {  	_ =	shalt  }
0x3f: {  	_ =	shalt  }
0x40: {  	_ =	shalt  }
0x41: {  	_ =	shalt  }
0x42: {  	_ =	shalt  }
0x43: {  	_ =	shalt  }
0x44: {  	_ =	shalt  }
0x45: {  	_ =	shalt  }
0x46: {  	_ =	shalt  }
0x47: {  	_ =	shalt  }
0x48: {  	_ =	shalt  }
0x49: {  	_ =	shalt  }
0x4a: {  	_ =	shalt  }
0x4b: {  	_ =	shalt  }
0x4c: {  	_ =	shalt  }
0x4d: {  	_ =	shalt  }
0x4e: {  	_ =	shalt  }
0x4f: {  	_ =	shalt  }
0x50: {  	_ =	shalt  }
0x51: {  	_ =	shalt  }
0x52: {  	_ =	shalt  }
0x53: {  	_ =	shalt  }
0x54: {  	_ =	shalt  }
0x55: {  	_ =	shalt  }
0x56: {  	_ =	shalt  }
0x57: {  	_ =	shalt  }
0x58: {  	_ =	shalt  }
0x59: {  	_ =	shalt  }
0x5a: {  	_ =	shalt  }
0x5b: {  	_ =	shalt  }
0x5c: {  	_ =	shalt  }
0x5d: {  	_ =	shalt  }
0x5e: {  	_ =	shalt  }
0x5f: {  	_ =	shalt  }
0x60: {  	_ =	shalt  }
0x61: {  	_ =	shalt  }
0x62: {  	_ =	shalt  }
0x63: {  	_ =	shalt  }
0x64: {  	_ =	shalt  }
0x65: {  	_ =	shalt  }
0x66: {  	_ =	shalt  }
0x67: {  	_ =	shalt  }
0x68: {  	_ =	shalt  }
0x69: {  	_ =	shalt  }
0x6a: {  	_ =	shalt  }
0x6b: {  	_ =	shalt  }
0x6c: {  	_ =	shalt  }
0x6d: {  	_ =	shalt  }
0x6e: {  	_ =	shalt  }
0x6f: {  	_ =	shalt  }
0x70: {  	_ =	shalt  }
0x71: {  	_ =	shalt  }
0x72: {  	_ =	shalt  }
0x73: {  	_ =	shalt  }
0x74: {  	_ =	shalt  }
0x75: {  	_ =	shalt  }
0x76: {  	_ =	shalt  }
0x77: {  	_ =	shalt  }
0x78: {  	_ =	shalt  }
0x79: {  	_ =	shalt  }
0x7a: {  	_ =	shalt  }
0x7b: {  	_ =	shalt  }
0x7c: {  	_ =	shalt  }
0x7d: {  	_ =	shalt  }
0x7e: {  	_ =	shalt  }
0x7f: {  	_ =	shalt  }
0x80: {  	_ =	shalt  }
0x81: {  	_ =	shalt  }
0x82: {  	_ =	shalt  }
0x83: {  	_ =	shalt  }
0x84: {  	_ =	shalt  }
0x85: {  	_ =	shalt  }
0x86: {  	_ =	shalt  }
0x87: {  	_ =	shalt  }
.Lfunc_end0:
.L_simem_size_0:
called_computation.1_lowered:
.L_overlay_start_0:
0x88: {  	s2 =	sld [smem:$0x3FD9]  }
0x89: {  	s3 =	sld [smem:$0x3FFE];
	_ =	sdelay $0x1  }
0x8a: {  	s1 =	srdreg.scid  }
0x8b: {  	s0 =	sand.u32 $0x1, s1  }
0x8c: {  	s17 =	sshll.u32 s0, $0xA;
	s2 =	sadd.s32 s3, s2  }
0x8d: {  	s2 =	sadd.s32 s2, s17  }
0x8e: {  	[smem:$0x3FC6] =	sst s2  }
0x8f: {  	_ = 	snop  }
0x90: {  	s2 =	sld [smem:$0x3FD0];
	(tm) =	ssettm $0x1  }
0x91: {  	s18 =	sld [smem:$0x3FFB];
	_ =	sdelay $0x3  }
0x92: {  	_ =	strace s18  }
0x93: {  	s3 =	sld [smem:$0x3FFC];
	_ =	sdelay $0x3  }
0x94: {  	_ =	strace s3  }
0x95: {  	s3 =	sld [smem:$0x3FFD];
	_ =	sdelay $0x3  }
0x96: {  	_ =	strace s3  }
0x97: {  	_ =	strace $0x8FFFFFFF  }
0x98: {  	s19 =	sld [smem:$0x3FDB];
	_ =	sdelay $0x1  }
0x99: {  	s4 =	simm.s32 $_scs_section_size  }
0x9a: {  	s5 =	simm.s32 $_size__tile_overlayer_lowered;
	s6 =	simm.s32 $_tile_overlayer_lowered  }
0x9b: {  	s22 =	simm.s32 $0x1BFF;
	s21 =	sshll.u32 s6, $0x1;
	s3 =	sadd.s32 s4, s19  }
0x9c: {  	s7 =	simm.s32 $0x0;
	s20 =	sshll.u32 s5, $0x1;
	s5 =	sadd.s32 s21, s3  }
0x9d: {  	[timem:s7], [sflag:s22] =	dma.local [hbm:s5], s20  }
0x9e: {  	_ =	swait.ge [sflag:s22], s20  }
0x9f: {  	s4 =	ssub.s32 $0x0, s20;
	[sflag:s22] =	ssyncset.done $0x0  }
0xa0: {  	[sflag:s22] =	ssyncadd.s32 s4;
	_ =	sdelay $0x1  }
0xa1: {  	s23 =	simm.s32 $0x1B8B  }
0xa2: {  	_ =	swait.ge [sflag:s23], $0x1  }
0xa3: {  	[sflag:s23] =	ssyncset.done $0x0  }
0xa4: {  	s25 =	simm.s32 $0x1B8E;
	s24 =	sld [smem:$0x3FFE];
	[sflag:s23] =	ssyncadd.s32 $0xFFFFFFFF  }
0xa5: {  	s26 =	simm.s32 $execute0_lowered;
	[smem:$0x3FD2] =	sst s25  }
0xa6: {  	s5 =	sshll.u32 s26, $0x1;
	_ =	strace $0x80000046;
	[dreg:$0x1] =	wrdreg $0xFFFFFFFF  }
0xa7: {  	s28 =	simm.s32 $_size_execute0_lowered;
	s3 =	sadd.s32 s3, s5;
	[dreg:$0x0] =	wrdreg $0x0  }
0xa8: {  	s5 =	sshll.u32 s28, $0x1;
	[dreg:$0x2] =	wrdreg s3  }
0xa9: {  	[dreg:$0x3] =	wrdreg s5  }
0xaa: {  	[dreg:$0x4] =	wrdreg $0xC0  }
0xab: {  	_ =	task [dreg:s7], $0x5FFFF  }
0xac: {  	[dreg:$0x1] =	wrdreg $0xFFFFFFFF  }
0xad: {  	[dreg:$0x0] =	wrdreg $0x60  }
0xae: {  	[dreg:$0x2] =	wrdreg s24  }
0xaf: {  	[dreg:$0x3] =	wrdreg s2  }
0xb0: {  	[dreg:$0x4] =	wrdreg $0x9  }
0xb1: {  	_ =	task.clear_ibuf [dreg:s7], $0x5FFFF;
	_ =	strace $0x90000046  }
0xb2: {  	s29 =	simm.s32 $0x9;
	_ =	strace $0x80000048  }
0xb3: {  	_ =	swait.ge [sflag:s29], $0x1  }
0xb4: {  	[sflag:s29] =	ssyncadd.s32 $0xFFFFFFFF  }
0xb5: {  	_ =	strace $0x90000048  }
0xb6: {  	_ =	sfence  }
0xb7: {  	s30 =	sld [smem:$0x0];
	_ =	sdelay $0x2  }
0xb8: {  	s31 =	sshll.u32 s1, $0xD;
	s1 =	sshrl.u32 s1, $0x2  }
0xb9: {  	s3 =	sand.u32 $0x4000, s31;
	s1 =	sadd.s32 s1, s30  }
0xba: {  	s0 =	sor.u32 s3, s0;
	s1 =	sshll.u32 s1, $0x11  }
0xbb: {  	s0 =	sor.u32 s1, s0  }
0xbc: {  	s0 =	sadd.s32 $0x8F2B, s0  }
0xbd: {  	[sflag:s0] =	ssyncadd.remote.s32 $0x1  }
0xbe: {  	_ =	sfence.sel $0xFFFF  }
0xbf: {  	[dreg:$0x0] =	wrdreg $0xFFFFFFFF;
	(pc) =	sbr.abs _section_cstart, $3  }
0xc0: {  	[dreg:$0x1] =	wrdreg $0xFFFFFFFF  }
0xc1: {  	_ =	task.clear_ibuf [dreg:s7], $0x2FFFF;
	_ =	strace $0x9FFFFFFF  }
0xc2: {  	(tm) =	ssettm $0x7FFFFFFF  }
0xc3: {  	_ =	shalt  }
tec
execute0_lowered:
.L_overlay_start_1:
0x0: {  	(tag) =	ssettag $0x1  }
0x1: {  	s0 =	srdreg.scid;
	s9 =	stileid.u32  }
0x2: {  	s1 =	rddreg [dreg:$0x0];
	s0 =	sand.u32 $0x1, s0;
	s2 =	sshll.u32 s9, $0x1  }
0x3: {  	s4 =	rddreg [dreg:$0x1];
	s29 =	simm.s32 $0x7900;
	s5 =	sor.u32 s0, s2  }
0x4: {  	s31 =	simm.s32 $0x9900;
	s28 =	simm.s32 $0x2;
	s3 =	smul.u32 $0x1900, s5  }
0x5: {  	s30 =	simm.s32 $0x7;
	s2 =	simm.s32 $0x0;
	s8 =	smul.u32 $0x64000, s5  }
0x6: {  	s10 =	simm.s32 $0x0;
	[smem:$0x7FF] =	sst s2;
	s5 =	smul.u32 $0xC800, s5  }
0x7: {  	s13 =	smul.u32 $0x3200, s9;
	s9 =	simm.s32 $0xA;
	_ =	strace $0x80000047  }
0x8: {  	s3 =	sshrl.u32 s3, $0x3;
	s12 =	sshrl.u32 s8, $0x3;
	s14 =	sadd.s32 s4, s5  }
0x9: {  	s6 =	sadd.s32 s3, s1;
	[dreg:$0x3] =	wrdreg s14;
	s16 =	sadd.s32 $0x400, s14  }
0xa: {  	s15 =	sadd.s32 s4, s12;
	s6 =	sadd.s32 $0xA00, s6;
	[dreg:$0x5] =	wrdreg s16  }
0xb: {  	s7 =	ssub.s32 $0x2, s0;
	s17 =	sadd.s32 $0x800, s15;
	[dreg:$0x4] =	wrdreg s6  }
0xc: {  	s0 =	smul.u32 $0x1900, s0;
	s18 =	sadd.s32 $0xC00, s15;
	[dreg:$0x6] =	wrdreg s17  }
0xd: {  	s11 =	sshrl.u32 s7, $0x1;
	s19 =	sadd.s32 $0x1000, s15;
	[dreg:$0x7] =	wrdreg s18  }
0xe: {  	s0 =	sadd.s32 s0, s13;
	s20 =	sadd.s32 $0xB400, s15;
	[dreg:$0x8] =	wrdreg s19  }
0xf: {  	s0 =	sshll.u32 s0, $0x3;
	s21 =	sadd.s32 $0xB800, s15;
	[dreg:$0x9] =	wrdreg s20  }
0x10: {  	s5 =	simm.s32 $0x8;
	s22 =	sadd.s32 $0xBC00, s15;
	[dreg:$0xa] =	wrdreg s21  }
0x11: {  	s3 =	sadd.s32 $0xF42E00, s1;
	s23 =	sadd.s32 $0xC000, s15;
	[dreg:$0xb] =	wrdreg s22  }
0x12: {  	s1 =	ssub.s32 s7, s11;
	s24 =	sadd.s32 $0xC400, s15;
	[dreg:$0xc] =	wrdreg s23  }
0x13: {  	s0 =	sadd.s32 s4, s0;
	s1 =	smax.u32 s1, $0x1;
	[dreg:$0xd] =	wrdreg s24  }
0x14: {  	s8 =	simm.s32 $0x5;
	s25 =	sadd.s32 $0x2000, s0;
	[dreg:$0xe] =	wrdreg s1  }
0x15: {  	s7 =	simm.s32 $0x9;
	s26 =	sadd.s32 $0x1C00, s0;
	[dreg:$0xf] =	wrdreg s25  }
0x16: {  	[dreg:$0x10] =	wrdreg s26;
	s18 =	sadd.s32 $0x1800, s0;
	s19 =	sadd.s32 $0x1400, s0  }
0x17: {  	s21 =	sadd.s32 $0x2400, s0;
	s22 =	simm.s32 $0x80;
	s23 =	simm.s32 $0x1900  }
0x18: {  	s24 =	simm.s32 $0x3900;
	s26 =	simm.s32 $0x5900;
	s1 =	simm.s32 $0x1  }
0x19: {  	s0 =	simm.s32 $0x6;
	s25 =	simm.s32 $0x3;
	s6 =	simm.s32 $0x4  }
.LBB2_1:
0x1a: {  	s4 =	rddreg [dreg:$0x4];
	s17 =	simm.s32 $0xB  }
0x1b: {  	[tilespmem:s2], [sflag:$0xB] =	stream.linear.gather [hbm4b:s4+s2], $0x1900, $0x38;
	[tilespmem:$0xB900] =	vst v63  }
0x1c: {  	_ =	swait.ge [sflag:s17], $0x1900  }
0x1d: {  	[sflag:s17] =	ssyncset.done $0x0  }
0x1e: {  	[sflag:s17] =	ssyncadd.s32 $0xFFFFE700  }
0x1f: {  	[tilespmem:s23], [sflag:$0x1] =	stream.indirect.gather [hbm4b:s3+s22], $0x40, s2, s22, $0xb8;
	[tilespmem:$0xB900] =	vst v63  }
0x20: {  	_ = 	snop  }
0x21: {  	[tilespmem:s24], [sflag:$0x2] =	stream.indirect.gather [hbm4b:s3+s22], $0x40, s22, s22, $0xb8;
	[tilespmem:$0xB900] =	vst v63  }
0x22: {  	s20 =	simm.s32 $0x100  }
0x23: {  	[tilespmem:s26], [sflag:$0x3] =	stream.indirect.gather [hbm4b:s3+s22], $0x40, s20, s22, $0xb8;
	[tilespmem:$0xB900] =	vst v63  }
0x24: {  	s11 =	simm.s32 $0x180  }
0x25: {  	[tilespmem:s29], [sflag:$0x4] =	stream.indirect.gather [hbm4b:s3+s22], $0x40, s11, s22, $0xb8;
	[tilespmem:$0xB900] =	vst v63  }
0x26: {  	s12 =	simm.s32 $0x200  }
0x27: {  	[tilespmem:s31], [sflag:$0x5] =	stream.indirect.gather [hbm4b:s3+s22], $0x40, s12, s22, $0xb8;
	[tilespmem:$0xB900] =	vst v63  }
0x28: {  	_ =	swait.ge [sflag:s1], $0x2000  }
0x29: {  	[sflag:s1] =	ssyncset.done $0x0  }
0x2a: {  	s13 =	rddreg [dreg:$0x3];
	[sflag:s1] =	ssyncadd.s32 $0xFFFFE000  }
0x2b: {  	[hbm4b:s13+s2] =	stream.linear.scatter [tilespmem:s23], [sflag:$0x6], $0x2000, $0x38;
	[tilespmem:$0xB900] =	vst v63  }
0x2c: {  	_ =	swait.ge [sflag:s0], $0x2000  }
0x2d: {  	[sflag:s0] =	ssyncset.done $0x0  }
0x2e: {  	s14 =	simm.s32 $0x280;
	[sflag:s0] =	ssyncadd.s32 $0xFFFFE000  }
0x2f: {  	[tilespmem:s23], [sflag:$0x1] =	stream.indirect.gather [hbm4b:s3+s22], $0x40, s14, s22, $0xb8;
	[tilespmem:$0xB900] =	vst v63  }
0x30: {  	_ =	swait.ge [sflag:s28], $0x2000  }
0x31: {  	[sflag:s28] =	ssyncset.done $0x0  }
0x32: {  	s15 =	rddreg [dreg:$0x5];
	[sflag:s28] =	ssyncadd.s32 $0xFFFFE000  }
0x33: {  	[hbm4b:s15+s2] =	stream.linear.scatter [tilespmem:s24], [sflag:$0x7], $0x2000, $0x38;
	[tilespmem:$0xB900] =	vst v63  }
0x34: {  	_ =	swait.ge [sflag:s30], $0x2000  }
0x35: {  	[sflag:s30] =	ssyncset.done $0x0  }
0x36: {  	s16 =	simm.s32 $0x300;
	[sflag:s30] =	ssyncadd.s32 $0xFFFFE000  }
0x37: {  	[tilespmem:s24], [sflag:$0x2] =	stream.indirect.gather [hbm4b:s3+s22], $0x40, s16, s22, $0xb8;
	[tilespmem:$0xB900] =	vst v63  }
0x38: {  	_ =	swait.ge [sflag:s25], $0x2000  }
0x39: {  	[sflag:s25] =	ssyncset.done $0x0  }
0x3a: {  	s17 =	rddreg [dreg:$0x6];
	[sflag:s25] =	ssyncadd.s32 $0xFFFFE000  }
0x3b: {  	[hbm4b:s17+s2] =	stream.linear.scatter [tilespmem:s26], [sflag:$0x8], $0x2000, $0x38;
	[tilespmem:$0xB900] =	vst v63  }
0x3c: {  	_ =	swait.ge [sflag:s5], $0x2000  }
0x3d: {  	[sflag:s5] =	ssyncset.done $0x0  }
0x3e: {  	s20 =	simm.s32 $0x380;
	[sflag:s5] =	ssyncadd.s32 $0xFFFFE000  }
0x3f: {  	[tilespmem:s26], [sflag:$0x3] =	stream.indirect.gather [hbm4b:s3+s22], $0x40, s20, s22, $0xb8;
	[tilespmem:$0xB900] =	vst v63  }
0x40: {  	_ =	swait.ge [sflag:s6], $0x2000  }
0x41: {  	[sflag:s6] =	ssyncset.done $0x0  }
0x42: {  	s11 =	rddreg [dreg:$0x7];
	[sflag:s6] =	ssyncadd.s32 $0xFFFFE000  }
0x43: {  	[hbm4b:s11+s2] =	stream.linear.scatter [tilespmem:s29], [sflag:$0x9], $0x2000, $0x38;
	[tilespmem:$0xB900] =	vst v63  }
0x44: {  	_ =	swait.ge [sflag:s7], $0x2000  }
0x45: {  	[sflag:s7] =	ssyncset.done $0x0  }
0x46: {  	s12 =	simm.s32 $0x400;
	[sflag:s7] =	ssyncadd.s32 $0xFFFFE000  }
0x47: {  	[tilespmem:s29], [sflag:$0x4] =	stream.indirect.gather [hbm4b:s3+s22], $0x40, s12, s22, $0xb8;
	[tilespmem:$0xB900] =	vst v63  }
0x48: {  	_ =	swait.ge [sflag:s8], $0x2000  }
0x49: {  	[sflag:s8] =	ssyncset.done $0x0  }
0x4a: {  	s13 =	rddreg [dreg:$0x8];
	[sflag:s8] =	ssyncadd.s32 $0xFFFFE000  }
0x4b: {  	[hbm4b:s13+s2] =	stream.linear.scatter [tilespmem:s31], [sflag:$0xA], $0x2000, $0x38;
	[tilespmem:$0xB900] =	vst v63  }
0x4c: {  	_ =	swait.ge [sflag:s9], $0x2000  }
0x4d: {  	[sflag:s9] =	ssyncset.done $0x0  }
0x4e: {  	s14 =	simm.s32 $0x480;
	[sflag:s9] =	ssyncadd.s32 $0xFFFFE000  }
0x4f: {  	[tilespmem:s31], [sflag:$0x5] =	stream.indirect.gather [hbm4b:s3+s22], $0x40, s14, s22, $0xb8;
	[tilespmem:$0xB900] =	vst v63  }
0x50: {  	_ =	swait.ge [sflag:s1], $0x2000  }
0x51: {  	[sflag:s1] =	ssyncset.done $0x0  }
0x52: {  	[sflag:s1] =	ssyncadd.s32 $0xFFFFE000  }
0x53: {  	[hbm4b:s19+s2] =	stream.linear.scatter [tilespmem:s23], [sflag:$0x6], $0x2000, $0x38;
	[tilespmem:$0xB900] =	vst v63  }
0x54: {  	_ =	swait.ge [sflag:s0], $0x2000  }
0x55: {  	[sflag:s0] =	ssyncset.done $0x0  }
0x56: {  	s15 =	simm.s32 $0x500;
	[sflag:s0] =	ssyncadd.s32 $0xFFFFE000  }
0x57: {  	[tilespmem:s23], [sflag:$0x1] =	stream.indirect.gather [hbm4b:s3+s22], $0x40, s15, s22, $0xb8;
	[tilespmem:$0xB900] =	vst v63  }
0x58: {  	_ =	swait.ge [sflag:s28], $0x2000  }
0x59: {  	[sflag:s28] =	ssyncset.done $0x0  }
0x5a: {  	[sflag:s28] =	ssyncadd.s32 $0xFFFFE000  }
0x5b: {  	[hbm4b:s18+s2] =	stream.linear.scatter [tilespmem:s24], [sflag:$0x7], $0x2000, $0x38;
	[tilespmem:$0xB900] =	vst v63  }
0x5c: {  	_ =	swait.ge [sflag:s30], $0x2000  }
0x5d: {  	[sflag:s30] =	ssyncset.done $0x0  }
0x5e: {  	s16 =	simm.s32 $0x580;
	[sflag:s30] =	ssyncadd.s32 $0xFFFFE000  }
0x5f: {  	[tilespmem:s24], [sflag:$0x2] =	stream.indirect.gather [hbm4b:s3+s22], $0x40, s16, s22, $0xb8;
	[tilespmem:$0xB900] =	vst v63  }
0x60: {  	_ =	swait.ge [sflag:s25], $0x2000  }
0x61: {  	[sflag:s25] =	ssyncset.done $0x0  }
0x62: {  	s15 =	rddreg [dreg:$0x10];
	[sflag:s25] =	ssyncadd.s32 $0xFFFFE000  }
0x63: {  	[hbm4b:s15+s2] =	stream.linear.scatter [tilespmem:s26], [sflag:$0x8], $0x2000, $0x38;
	[tilespmem:$0xB900] =	vst v63  }
0x64: {  	_ =	swait.ge [sflag:s5], $0x2000  }
0x65: {  	[sflag:s5] =	ssyncset.done $0x0  }
0x66: {  	s17 =	simm.s32 $0x600;
	[sflag:s5] =	ssyncadd.s32 $0xFFFFE000  }
0x67: {  	[tilespmem:s26], [sflag:$0x3] =	stream.indirect.gather [hbm4b:s3+s22], $0x40, s17, s22, $0xb8;
	[tilespmem:$0xB900] =	vst v63  }
0x68: {  	_ =	swait.ge [sflag:s6], $0x2000  }
0x69: {  	[sflag:s6] =	ssyncset.done $0x0  }
0x6a: {  	s14 =	rddreg [dreg:$0xf];
	[sflag:s6] =	ssyncadd.s32 $0xFFFFE000  }
0x6b: {  	[hbm4b:s14+s2] =	stream.linear.scatter [tilespmem:s29], [sflag:$0x9], $0x2000, $0x38;
	[tilespmem:$0xB900] =	vst v63  }
0x6c: {  	_ =	swait.ge [sflag:s7], $0x2000  }
0x6d: {  	[sflag:s7] =	ssyncset.done $0x0  }
0x6e: {  	s4 =	simm.s32 $0xA00;
	s20 =	simm.s32 $0x680;
	[sflag:s7] =	ssyncadd.s32 $0xFFFFE000  }
0x6f: {  	[tilespmem:s29], [sflag:$0x4] =	stream.indirect.gather [hbm4b:s3+s22], $0x40, s20, s22, $0xb8;
	[tilespmem:$0xB900] =	vst v63  }
0x70: {  	s11 =	sadd.s32 $0x1400, s21;
	s12 =	sadd.s32 $0x1400, s18;
	_ =	swait.ge [sflag:s8], $0x2000  }
0x71: {  	s13 =	sadd.s32 $0x1400, s19;
	s15 =	sadd.s32 $0x1400, s15;
	[sflag:s8] =	ssyncset.done $0x0  }
0x72: {  	s14 =	sadd.s32 $0x1400, s14;
	s20 =	smov.u32 s21;
	[sflag:s8] =	ssyncadd.s32 $0xFFFFE000  }
.LBB2_2:
0x73: {  	[hbm4b:s20+s2] =	stream.linear.scatter [tilespmem:s31], [sflag:$0xA], $0x2000, $0x38;
	[tilespmem:$0xB900] =	vst v63  }
0x74: {  	s16 =	smov.u32 s4;
	s20 =	smov.u32 s11  }
0x75: {  	p0 =	sne.s32 s4, $0x4600;
	s4 =	sadd.s32 $0xA00, s4;
	_ =	swait.ge [sflag:s9], $0x2000  }
0x76: {  	s16 =	sshra.s32 s16, $0x2;
	[sflag:s9] =	ssyncset.done $0x0  }
0x77: {  	s17 =	sadd.s32 $0x480, s16;
	[sflag:s9] =	ssyncadd.s32 $0xFFFFE000  }
0x78: {  	[tilespmem:s31], [sflag:$0x5] =	stream.indirect.gather [hbm4b:s3+s22], $0x40, s17, s22, $0xb8;
	[tilespmem:$0xB900] =	vst v63  }
0x79: {  	_ =	swait.ge [sflag:s1], $0x2000  }
0x7a: {  	[sflag:s1] =	ssyncset.done $0x0  }
0x7b: {  	[sflag:s1] =	ssyncadd.s32 $0xFFFFE000  }
0x7c: {  	[hbm4b:s13+s2] =	stream.linear.scatter [tilespmem:s23], [sflag:$0x6], $0x2000, $0x38;
	[tilespmem:$0xB900] =	vst v63  }
0x7d: {  	_ =	swait.ge [sflag:s0], $0x2000  }
0x7e: {  	[sflag:s0] =	ssyncset.done $0x0  }
0x7f: {  	s17 =	sadd.s32 $0x500, s16;
	[sflag:s0] =	ssyncadd.s32 $0xFFFFE000  }
0x80: {  	[tilespmem:s23], [sflag:$0x1] =	stream.indirect.gather [hbm4b:s3+s22], $0x40, s17, s22, $0xb8;
	[tilespmem:$0xB900] =	vst v63  }
0x81: {  	_ =	swait.ge [sflag:s28], $0x2000  }
0x82: {  	[sflag:s28] =	ssyncset.done $0x0  }
0x83: {  	[sflag:s28] =	ssyncadd.s32 $0xFFFFE000  }
0x84: {  	[hbm4b:s12+s2] =	stream.linear.scatter [tilespmem:s24], [sflag:$0x7], $0x2000, $0x38;
	[tilespmem:$0xB900] =	vst v63  }
0x85: {  	_ =	swait.ge [sflag:s30], $0x2000  }
0x86: {  	[sflag:s30] =	ssyncset.done $0x0  }
0x87: {  	s17 =	sadd.s32 $0x580, s16;
	[sflag:s30] =	ssyncadd.s32 $0xFFFFE000  }
0x88: {  	[tilespmem:s24], [sflag:$0x2] =	stream.indirect.gather [hbm4b:s3+s22], $0x40, s17, s22, $0xb8;
	[tilespmem:$0xB900] =	vst v63  }
0x89: {  	_ =	swait.ge [sflag:s25], $0x2000  }
0x8a: {  	[sflag:s25] =	ssyncset.done $0x0  }
0x8b: {  	[sflag:s25] =	ssyncadd.s32 $0xFFFFE000  }
0x8c: {  	[hbm4b:s15+s2] =	stream.linear.scatter [tilespmem:s26], [sflag:$0x8], $0x2000, $0x38;
	[tilespmem:$0xB900] =	vst v63  }
0x8d: {  	_ =	swait.ge [sflag:s5], $0x2000  }
0x8e: {  	[sflag:s5] =	ssyncset.done $0x0  }
0x8f: {  	s17 =	sadd.s32 $0x600, s16;
	[sflag:s5] =	ssyncadd.s32 $0xFFFFE000  }
0x90: {  	[tilespmem:s26], [sflag:$0x3] =	stream.indirect.gather [hbm4b:s3+s22], $0x40, s17, s22, $0xb8;
	[tilespmem:$0xB900] =	vst v63  }
0x91: {  	_ =	swait.ge [sflag:s6], $0x2000  }
0x92: {  	[sflag:s6] =	ssyncset.done $0x0  }
0x93: {  	[sflag:s6] =	ssyncadd.s32 $0xFFFFE000  }
0x94: {  	[hbm4b:s14+s2] =	stream.linear.scatter [tilespmem:s29], [sflag:$0x9], $0x2000, $0x38;
	[tilespmem:$0xB900] =	vst v63  }
0x95: {  	_ =	swait.ge [sflag:s7], $0x2000  }
0x96: {  	[sflag:s7] =	ssyncset.done $0x0  }
.Ltmp0:
0x97: {  	s16 =	sadd.s32 $0x680, s16;
	[sflag:s7] =	ssyncadd.s32 $0xFFFFE000;
	(pc) =	sbr.rel @p0 .LBB2_2-.Ltmp0, $4  }
0x98: {  	[tilespmem:s29], [sflag:$0x4] =	stream.indirect.gather [hbm4b:s3+s22], $0x40, s16, s22, $0xb8;
	[tilespmem:$0xB900] =	vst v63  }
0x99: {  	s11 =	sadd.s32 $0x1400, s11;
	_ =	swait.ge [sflag:s8], $0x2000  }
0x9a: {  	s13 =	sadd.s32 $0x1400, s13;
	s12 =	sadd.s32 $0x1400, s12;
	[sflag:s8] =	ssyncset.done $0x0  }
0x9b: {  	s15 =	sadd.s32 $0x1400, s15;
	s14 =	sadd.s32 $0x1400, s14;
	[sflag:s8] =	ssyncadd.s32 $0xFFFFE000  }
0x9c: {  	[hbm4b:s20+s2] =	stream.linear.scatter [tilespmem:s31], [sflag:$0xA], $0x2000, $0x38;
	[tilespmem:$0xB900] =	vst v63  }
0x9d: {  	_ =	swait.ge [sflag:s9], $0x2000  }
0x9e: {  	[sflag:s9] =	ssyncset.done $0x0  }
0x9f: {  	s4 =	simm.s32 $0x1880;
	[sflag:s9] =	ssyncadd.s32 $0xFFFFE000  }
0xa0: {  	[tilespmem:s31], [sflag:$0x5] =	stream.indirect.gather [hbm4b:s3+s22], $0x40, s4, s22, $0xb8;
	[tilespmem:$0xB900] =	vst v63  }
0xa1: {  	_ =	swait.ge [sflag:s1], $0x2000  }
0xa2: {  	[sflag:s1] =	ssyncset.done $0x0  }
0xa3: {  	s13 =	rddreg [dreg:$0x9];
	[sflag:s1] =	ssyncadd.s32 $0xFFFFE000  }
0xa4: {  	[hbm4b:s13+s2] =	stream.linear.scatter [tilespmem:s23], [sflag:$0x6], $0x2000, $0x38;
	[tilespmem:$0xB900] =	vst v63  }
0xa5: {  	_ =	swait.ge [sflag:s28], $0x2000  }
0xa6: {  	[sflag:s28] =	ssyncset.done $0x0  }
0xa7: {  	s14 =	rddreg [dreg:$0xa];
	[sflag:s28] =	ssyncadd.s32 $0xFFFFE000  }
0xa8: {  	[hbm4b:s14+s2] =	stream.linear.scatter [tilespmem:s24], [sflag:$0x7], $0x2000, $0x38;
	[tilespmem:$0xB900] =	vst v63  }
0xa9: {  	_ =	swait.ge [sflag:s25], $0x2000  }
0xaa: {  	[sflag:s25] =	ssyncset.done $0x0  }
0xab: {  	s15 =	rddreg [dreg:$0xb];
	[sflag:s25] =	ssyncadd.s32 $0xFFFFE000  }
0xac: {  	[hbm4b:s15+s2] =	stream.linear.scatter [tilespmem:s26], [sflag:$0x8], $0x2000, $0x38;
	[tilespmem:$0xB900] =	vst v63  }
0xad: {  	_ =	swait.ge [sflag:s6], $0x2000  }
0xae: {  	[sflag:s6] =	ssyncset.done $0x0  }
0xaf: {  	s16 =	rddreg [dreg:$0xc];
	[sflag:s6] =	ssyncadd.s32 $0xFFFFE000  }
0xb0: {  	[hbm4b:s16+s2] =	stream.linear.scatter [tilespmem:s29], [sflag:$0x9], $0x2000, $0x38;
	[tilespmem:$0xB900] =	vst v63  }
0xb1: {  	_ =	swait.ge [sflag:s8], $0x2000  }
0xb2: {  	[sflag:s8] =	ssyncset.done $0x0  }
0xb3: {  	s17 =	rddreg [dreg:$0xd];
	[sflag:s8] =	ssyncadd.s32 $0xFFFFE000  }
0xb4: {  	[hbm4b:s17+s2] =	stream.linear.scatter [tilespmem:s31], [sflag:$0xA], $0x2000, $0x38;
	[tilespmem:$0xB900] =	vst v63  }
0xb5: {  	_ =	swait.ge [sflag:s0], $0x2000  }
0xb6: {  	[sflag:s0] =	ssyncset.done $0x0  }
0xb7: {  	[sflag:s0] =	ssyncadd.s32 $0xFFFFE000  }
0xb8: {  	_ =	swait.ge [sflag:s30], $0x2000  }
0xb9: {  	[sflag:s30] =	ssyncset.done $0x0  }
0xba: {  	[sflag:s30] =	ssyncadd.s32 $0xFFFFE000  }
0xbb: {  	_ =	swait.ge [sflag:s5], $0x2000  }
0xbc: {  	[sflag:s5] =	ssyncset.done $0x0  }
0xbd: {  	[sflag:s5] =	ssyncadd.s32 $0xFFFFE000  }
0xbe: {  	_ =	swait.ge [sflag:s7], $0x2000  }
0xbf: {  	[sflag:s7] =	ssyncset.done $0x0  }
0xc0: {  	[sflag:s7] =	ssyncadd.s32 $0xFFFFE000  }
0xc1: {  	_ =	swait.ge [sflag:s9], $0x2000  }
0xc2: {  	s10 =	sadd.s32 $0x1, s10;
	s20 =	rddreg [dreg:$0xe]  }
0xc3: {  	p0 =	sne.s32 s10, s20  }
.Ltmp1:
0xc4: {  	_ = 	snop;
	(pc) =	sbr.rel @p0 .LBB2_1-.Ltmp1, $3  }
0xc5: {  	_ =	sdelay $0x1  }
0xc6: {  	[sflag:s9] =	ssyncset.done $0x0  }
0xc7: {  	[sflag:s9] =	ssyncadd.s32 $0xFFFFE000  }
0xc8: {  	_ =	sfence.sel $0x180000  }
0xc9: {  	[bflag:$0x0] =	sbarrier.arrive $0xFFFF  }
0xca: {  	_ =	strace $0x90000047  }
0xcb: {  	s0 =	stileid.u32;
	[bflag:$0x2] =	sbarrier.arrive $0xFFFF  }
0xcc: {  	p0 =	sne.s32 s0, $0x0;
	s0 =	rddreg [dreg:$0x2]  }
0xcd: {  	s0 =	sadd.s32 @!p0 $0x100000, s0  }
0xce: {  	[sflag:s0] =	ssyncadd.tile.s32 @!p0 $0x1;
	_ =	shalt  }
.Lfunc_end2:
_tile_overlayer_lowered:
.L_overlay_start_2:
0xcf: {  	(tag) =	ssettag $0x2  }
0xd0: {  	s0 =	rddreg [dreg:$0x0];
	s2 =	stileid.u32  }
0xd1: {  	s1 =	rddreg [dreg:$0x1];
	p0 =	sne.s32 s2, $0x0  }
0xd2: {  	s3 =	rddreg [dreg:$0x2];
	[bflag:$0x3] =	sbarrier.arrive $0xFFFF;
	s2 =	simm.s32 @!p0 $0x1C0B  }
0xd3: {  	[timem:s3], [sflag:s2] =	dma.local @!p0 [hbm:s0], s1  }
0xd4: {  	s0 =	simm.s32 @!p0 $0xB  }
0xd5: {  	_ =	swait.ge @!p0 [sflag:s0], s1  }
0xd6: {  	s1 =	ssub.s32 @!p0 $0x0, s1;
	[sflag:s0] =	ssyncset.done @!p0 $0x0  }
0xd7: {  	[sflag:s0] =	ssyncadd.s32 @!p0 s1  }
0xd8: {  	[bflag:$0x3] =	sbarrier.arrive $0xFFFF  }
0xd9: {  	_ =	shalt  }

// kernel: sparse-core-data-format-call.cloned.1.call-start
scs
called_computation_lowered:
.L_overlay_start_0:
0x0: {  	s2 =	sld [smem:$0x3FD9]  }
0x1: {  	s3 =	sld [smem:$0x3FFE];
	_ =	sdelay $0x1  }
0x2: {  	s1 =	srdreg.scid  }
0x3: {  	s0 =	sand.u32 $0x1, s1  }
0x4: {  	s18 =	sshll.u32 s0, $0xA;
	s2 =	sadd.s32 s3, s2  }
0x5: {  	s2 =	sadd.s32 s2, s18  }
0x6: {  	[smem:$0x3FC6] =	sst s2  }
0x7: {  	_ = 	snop  }
0x8: {  	s2 =	sld [smem:$0x3FD0];
	(tm) =	ssettm $0x1  }
0x9: {  	s19 =	sld [smem:$0x3FFB];
	_ =	sdelay $0x3  }
0xa: {  	_ =	strace s19  }
0xb: {  	s3 =	sld [smem:$0x3FFC];
	_ =	sdelay $0x3  }
0xc: {  	_ =	strace s3  }
0xd: {  	s3 =	sld [smem:$0x3FFD];
	_ =	sdelay $0x3  }
0xe: {  	_ =	strace s3  }
0xf: {  	_ =	strace $0x8FFFFFFF  }
0x10: {  	s20 =	sld [smem:$0x3FDB];
	_ =	sdelay $0x1  }
0x11: {  	s4 =	simm.s32 $_scs_section_size  }
0x12: {  	s5 =	simm.s32 $_size__tile_overlayer_lowered;
	s6 =	simm.s32 $_tile_overlayer_lowered  }
0x13: {  	s23 =	simm.s32 $0x1BFF;
	s22 =	sshll.u32 s6, $0x1;
	s3 =	sadd.s32 s4, s20  }
0x14: {  	s7 =	simm.s32 $0x0;
	s21 =	sshll.u32 s5, $0x1;
	s5 =	sadd.s32 s22, s3  }
0x15: {  	[timem:s7], [sflag:s23] =	dma.local [hbm:s5], s21  }
0x16: {  	_ =	swait.ge [sflag:s23], s21  }
0x17: {  	s4 =	ssub.s32 $0x0, s21;
	[sflag:s23] =	ssyncset.done $0x0  }
0x18: {  	[sflag:s23] =	ssyncadd.s32 s4;
	_ =	sdelay $0x1  }
0x19: {  	s24 =	simm.s32 $0x1B8B  }
0x1a: {  	_ =	swait.ge [sflag:s24], $0x1  }
0x1b: {  	[sflag:s24] =	ssyncset.done $0x0  }
0x1c: {  	s26 =	simm.s32 $0x1B8E;
	s25 =	sld [smem:$0x3FFE];
	[sflag:s24] =	ssyncadd.s32 $0xFFFFFFFF  }
0x1d: {  	s27 =	simm.s32 $execute0_lowered;
	[smem:$0x3FD2] =	sst s26  }
0x1e: {  	s5 =	sshll.u32 s27, $0x1;
	_ =	strace $0x80000049;
	[dreg:$0x1] =	wrdreg $0xFFFFFFFF  }
0x1f: {  	s28 =	simm.s32 $_size_execute0_lowered;
	s3 =	sadd.s32 s3, s5;
	[dreg:$0x0] =	wrdreg $0x0  }
0x20: {  	s5 =	sshll.u32 s28, $0x1;
	[dreg:$0x2] =	wrdreg s3  }
0x21: {  	[dreg:$0x3] =	wrdreg s5  }
0x22: {  	[dreg:$0x4] =	wrdreg $0xC0  }
0x23: {  	_ =	task [dreg:s7], $0x5FFFF  }
0x24: {  	[dreg:$0x1] =	wrdreg $0xFFFFFFFF  }
0x25: {  	[dreg:$0x0] =	wrdreg $0x60  }
0x26: {  	[dreg:$0x2] =	wrdreg s25  }
0x27: {  	[dreg:$0x3] =	wrdreg s2  }
0x28: {  	[dreg:$0x4] =	wrdreg $0x9  }
0x29: {  	_ =	task.clear_ibuf [dreg:s7], $0x5FFFF;
	_ =	strace $0x90000049  }
0x2a: {  	s29 =	simm.s32 $0x9;
	_ =	strace $0x8000004B  }
0x2b: {  	_ =	swait.ge [sflag:s29], $0x1  }
0x2c: {  	[sflag:s29] =	ssyncadd.s32 $0xFFFFFFFF  }
0x2d: {  	_ =	strace $0x9000004B  }
0x2e: {  	_ =	sfence  }
0x2f: {  	s30 =	sld [smem:$0x0];
	_ =	sdelay $0x2  }
0x30: {  	s31 =	sshll.u32 s1, $0xD;
	s1 =	sshrl.u32 s1, $0x2  }
0x31: {  	s3 =	sand.u32 $0x4000, s31;
	s1 =	sadd.s32 s1, s30  }
0x32: {  	s0 =	sor.u32 s3, s0;
	s1 =	sshll.u32 s1, $0x11  }
0x33: {  	s0 =	sor.u32 s1, s0  }
0x34: {  	s0 =	sadd.s32 $0x8F2B, s0  }
0x35: {  	[sflag:s0] =	ssyncadd.remote.s32 $0x1  }
0x36: {  	_ =	sfence.sel $0xFFFF  }
0x37: {  	[dreg:$0x0] =	wrdreg $0xFFFFFFFF;
	(pc) =	sbr.abs _section_cstart, $3  }
0x38: {  	[dreg:$0x1] =	wrdreg $0xFFFFFFFF  }
0x39: {  	_ =	task.clear_ibuf [dreg:s7], $0x2FFFF;
	_ =	strace $0x9FFFFFFF  }
0x3a: {  	(tm) =	ssettm $0x7FFFFFFF  }
0x3b: {  	_ =	shalt  }
tec
execute0_lowered:
.L_overlay_start_1:
0x0: {  	(tag) =	ssettag $0x1  }
0x1: {  	s0 =	srdreg.scid  }
0x2: {  	s1 =	sshll.u32 s0, $0x4  }
0x3: {  	s0 =	stileid.u32;
	s1 =	sand.u32 $0x10, s1  }
0x4: {  	s1 =	sor.u32 s0, s1  }
0x5: {  	s6 =	rddreg [dreg:$0x0];
	s4 =	simm.s32 $0x1;
	s2 =	sshll.u32 s1, $0x7  }
0x6: {  	s7 =	simm.s32 $0x2;
	s12 =	simm.s32 $0x0;
	s1 =	ssub.s32 $0x1000, s2  }
0x7: {  	s8 =	simm.s32 $0x8000;
	s13 =	simm.s32 $0x0;
	s3 =	sand.u32 $0xF80, s1  }
0x8: {  	s9 =	simm.s32 $0x0;
	s5 =	sshrl.u32 s1, $0xC;
	p0 =	sne.s32 s3, $0x0  }
.Ltmp0:
0x9: {  	s1 =	rddreg [dreg:$0x2];
	s4 =	simm.s32 @!p0 $0x0;
	(pc) =	sbr.rel .LBB1_1-.Ltmp0, $4  }
0xa: {  	s11 =	simm.s32 $0x0;
	s3 =	rddreg [dreg:$0x1];
	s5 =	sadd.s32 s4, s5  }
0xb: {  	_ =	strace $0x8000004A;
	s4 =	simm.s32 $0x1;
	s5 =	smul.u32 $0x32, s5  }
0xc: {  	s6 =	sadd.s32 $0xA00, s6;
	s10 =	smov.u32 s2;
	[sflag:s4] =	ssyncpa.u1 $0x0  }
0xd: {  	p0 =	por $0x0, $0x0;
	[sflag:s7] =	ssyncpa.u1 $0x0;
	s7 =	sor.u32 $0x1, s5  }
.LBB1_4:
0xe: {  	s16 =	sshll.u32 s13, $0x3;
	s17 =	sand.u32 $0x78, s13  }
0xf: {  	s30 =	sand.u32 $0x7E00, s13;
	s12 =	sshll.u32 s12, $0xF;
	s16 =	sand.u32 $0xC00, s16  }
0x10: {  	[tilespmem:s15+$0x810 ss:$0x81] =	vst.msk $0xffff, v2;
	s31 =	sand.u32 $0x7, s13;
	s16 =	sor.u32 s17, s16;
	s17 =	sadd.s32 s3, s30  }
0x11: {  	[tilespmem:s15+$0x1020 ss:$0x81] =	vst.msk $0xffff, v0;
	s13 =	sshll.u32 s31, $0x12;
	s12 =	sadd.s32 s12, s17;
	s16 =	sshrl.u32 s16, $0x3  }
0x12: {  	[tilespmem:s15+$0x0 ss:$0x81] =	vst.msk $0xffff, v1;
	s13 =	sor.u32 $0x400, s13;
	s12 =	sadd.s32 s16, s12  }
0x13: {  	[hbm4b:s12+s13] =	stream.strided.scatter [tilespmem:s14], [sflag:$0x2], $0x2000, s8, s13, $0x20;
	[tilespmem:$0x8080] =	vst v63  }
.LBB1_5:
0x14: {  	s14 =	sadd.s32 $0x1, s9  }
0x15: {  	s12 =	sadd.s32 $0x1000, s10;
	s16 =	smov.u32 s10;
	p2 =	sgt.s32 s14, $0x31  }
0x16: {  	s16 =	smov.u32 @p2 s12  }
0x17: {  	s14 =	simm.s32 @p2 $0x0;
	p2 =	sgt.s32 s16, $0xFFF  }
0x18: {  	s16 =	smov.u32 @p2 s2;
	p2 =	sne.s32 s11, s7  }
.Ltmp1:
0x19: {  	p1 =	slt.u32 s11, $0x2;
	(pc) =	sbr.rel @!p2 .LBB1_6-.Ltmp1, $4  }
0x1a: {  	s15 =	simm.s32 @!p1 $0x2  }
0x1b: {  	s13 =	smov.u32 s10;
	p0 =	por !p0, !p0;
	_ =	swait.ge @!p1 [sflag:s15], $0x2000  }
0x1c: {  	s12 =	smov.u32 s9;
	[sflag:s15] =	ssyncset.done @!p1 $0x0;
	s9 =	smov.u32 s14  }
0x1d: {  	s11 =	sadd.s32 $0x1, s11;
	[sflag:s15] =	ssyncadd.s32 @!p1 $0xFFFFE000;
	s10 =	smov.u32 s16  }
.LBB1_1:
0x1e: {  	p1 =	sge.u32 s11, s5  }
0x1f: {  	s14 =	sand.u32 @!p1 $0x1FFFFFF, s9  }
0x20: {  	s15 =	smulhi.u32 @!p1 $0x4924925, s14;
	_ =	sdelay $0x1  }
0x21: {  	s15 =	smul.u32 @!p1 $0x38, s15  }
0x22: {  	s16 =	sxor.u32 @!p1 $0xFFFFFFFF, s11;
	s17 =	smul.u32 @!p1 $0x380, s10  }
0x23: {  	s31 =	sadd.s32 $0xFFFFFFFF, s11;
	s16 =	sshll.u32 @!p1 s16, $0xD;
	s14 =	ssub.s32 @!p1 s14, s15  }
0x24: {  	s15 =	sand.u32 @!p1 $0x2000, s16;
	s16 =	sadd.s32 @!p1 s6, s17;
	s14 =	sshll.u32 @!p1 s14, $0x4  }
0x25: {  	s17 =	simm.s32 @!p1 $0x1C00;
	s14 =	sadd.s32 @!p1 s14, s16;
	s16 =	simm.s32 @!p1 $0x40  }
0x26: {  	[tilespmem:s15], [sflag:$0x1] =	stream.strided.gather @!p1 [hbm4b:s14+s16], $0x2000, s17, s16, $0x38;
	[tilespmem:$0x8080] =	vst v63  }
0x27: {  	p1 =	sge.u32 s31, s5  }
.Ltmp2:
0x28: {  	_ = 	snop;
	(pc) =	sbr.rel @p1 .LBB1_5-.Ltmp2, $1  }
0x29: {  	_ =	sdelay $0x3  }
0x2a: {  	s14 =	simm.s32 $0x1  }
0x2b: {  	_ =	swait.ge [sflag:s4], $0x2000;
	s14 =	simm.s32 @!p0 $0x0  }
0x2c: {  	[sflag:s4] =	ssyncset.done $0x0;
	s15 =	sshll.u32 s14, $0xD  }
0x2d: {  	[sflag:s4] =	ssyncadd.s32 $0xFFFFE000;
	s18 =	sor.u32 $0x20, s15  }
0x2e: {  	s14 =	smul.u32 $0x8100, s14;
	v3 =	vld [tilespmem:s18+$0x10]  }
0x2f: {  	s30 =	sand.u32 $0x1, s11;
	v2 =	vld [tilespmem:s18+$0xFFFFFFF0]  }
0x30: {  	s15 =	smul.u32 $0x8100, s30;
	s14 =	sshrl.u32 s14, $0x2;
	v0 =	vld [tilespmem:s18+$0x0]  }
0x31: {  	v1 =	vld [tilespmem:s18+$0xFFFFFFE0];
	s16 =	sor.u32 $0x4000, s14  }
0x32: {  	s31 =	sshrl.u32 s15, $0x2;
	s15 =	sadd.s32 $0x0, s16  }
0x33: {  	s17 =	simm.s32 $0x4;
	s18 =	sadd.s32 $0x40, s18;
	s14 =	sor.u32 $0x4000, s31;
	[tilespmem:s15+$0x1830 ss:$0x81] =	vst.msk $0xffff, v3  }
.LBB1_3:
0x34: {  	v3 =	vld [tilespmem:s18+$0x10];
	p1 =	sne.s32 s17, $0x1FC;
	[tilespmem:s15+$0x810 ss:$0x81] =	vst.msk $0xffff, v2;
	s19 =	smov.u32 s17;
	s17 =	sadd.s32 $0x4, s17  }
.Ltmp3:
0x35: {  	v2 =	vld [tilespmem:s18+$0xFFFFFFF0];
	[tilespmem:s15+$0x1020 ss:$0x81] =	vst.msk $0xffff, v0;
	(pc) =	sbr.rel @p1 .LBB1_3-.Ltmp3, $4  }
0x36: {  	v0 =	vld [tilespmem:s18+$0x0];
	[tilespmem:s15+$0x0 ss:$0x81] =	vst.msk $0xffff, v1  }
0x37: {  	s15 =	sshra.s32 s19, $0x2;
	v1 =	vld [tilespmem:s18+$0xFFFFFFE0]  }
0x38: {  	s15 =	sadd.s32 s15, s16  }
0x39: {  	s18 =	sadd.s32 $0x40, s18;
	[tilespmem:s15+$0x1830 ss:$0x81] =	vst.msk $0xffff, v3  }
.Ltmp4:
0x3a: {  	_ = 	snop;
	(pc) =	sbr.rel .LBB1_4-.Ltmp4, $1  }
0x3b: {  	_ =	sdelay $0x3  }
.LBB1_6:
0x3c: {  	_ =	sfence.sel $0x180000  }
0x3d: {  	s2 =	simm.s32 $0x1;
	[bflag:$0x0] =	sbarrier.arrive $0xFFFF  }
0x3e: {  	s31 =	simm.s32 $0x2;
	[sflag:s2] =	ssyncpa.u1 $0x1  }
0x3f: {  	[sflag:s31] =	ssyncpa.u1 $0x1  }
0x40: {  	p0 =	sne.s32 s0, $0x0;
	_ =	strace $0x9000004A  }
0x41: {  	s0 =	sadd.s32 @!p0 $0x100000, s1;
	[bflag:$0x2] =	sbarrier.arrive $0xFFFF  }
0x42: {  	[sflag:s0] =	ssyncadd.tile.s32 @!p0 $0x1;
	_ =	shalt  }
.Lfunc_end1:
_tile_overlayer_lowered:
.L_overlay_start_2:
0x43: {  	(tag) =	ssettag $0x2  }
0x44: {  	s0 =	rddreg [dreg:$0x0];
	s2 =	stileid.u32  }
0x45: {  	s1 =	rddreg [dreg:$0x1];
	p0 =	sne.s32 s2, $0x0  }
0x46: {  	s3 =	rddreg [dreg:$0x2];
	[bflag:$0x3] =	sbarrier.arrive $0xFFFF;
	s2 =	simm.s32 @!p0 $0x1C01  }
0x47: {  	[timem:s3], [sflag:s2] =	dma.local @!p0 [hbm:s0], s1  }
0x48: {  	s0 =	simm.s32 @!p0 $0x1  }
0x49: {  	_ =	swait.ge @!p0 [sflag:s0], s1  }
0x4a: {  	s1 =	ssub.s32 @!p0 $0x0, s1;
	[sflag:s0] =	ssyncset.done @!p0 $0x0  }
0x4b: {  	[sflag:s0] =	ssyncadd.s32 @!p0 s1  }
0x4c: {  	[bflag:$0x3] =	sbarrier.arrive $0xFFFF  }
0x4d: {  	_ =	shalt  }

</sc_bundles>
